<compile_context>
chip_gen: v7x
topology: tpu7x:2x2x1
jax: 0.10.2.dev20260603
libtpu: 0.0.44.dev20260713+nightly
codegen_flags: <defaults>
</compile_context>

<pallas_src>
import dataclasses
import functools

import jax
import jax.numpy as jnp
from jax import lax
from jax.experimental import pallas as pl
from jax.experimental.pallas import tpu as pltpu
from jax.experimental.pallas import tpu_sc as plsc

N_CORES = 2
N_SUBCORES = 16
NW = N_CORES * N_SUBCORES
LANES = 16
CHUNK = 128
NBUF = 2


def _make_sc_aggregate(n_pad, d, e_pad):
    per_w = e_pad // NW
    n_chunks = per_w // CHUNK
    assert n_chunks % 2 == 0
    n_pairs = n_chunks // 2
    rows_pt = n_pad // N_SUBCORES
    nj = d // LANES
    mesh = plsc.VectorSubcoreMesh(core_axis_name="c", subcore_axis_name="s")
    cp = pltpu.CompilerParams()
    if "needs_layout_passes" in pltpu.CompilerParams.__dataclass_fields__:
        cp = dataclasses.replace(cp, needs_layout_passes=False)

    @functools.partial(
        pl.kernel,
        mesh=mesh,
        compiler_params=cp,
        out_type=jax.ShapeDtypeStruct((N_CORES, n_pad, d), jnp.float32),
        scratch_types=[
            pltpu.VMEM_SHARED((n_pad, d), jnp.float32),
            pltpu.VMEM((2, CHUNK), jnp.int32),
            pltpu.VMEM((2, CHUNK), jnp.int32),
            pltpu.VMEM((2, CHUNK, 128), jnp.float32),
            pltpu.VMEM((2, CHUNK), jnp.float32),
            pltpu.SemaphoreType.DMA((2,)),
            pltpu.SemaphoreType.DMA((2,)),
        ],
    )
    def sc_agg(x_hbm, dst_hbm, src_hbm, w_hbm, zeros_hbm, out_hbm,
               acc, srcv, dstv, rows, wvm, gsem, ssem):
        cid = lax.axis_index("c")
        sid = lax.axis_index("s")
        wid = cid * N_SUBCORES + sid
        pltpu.sync_copy(zeros_hbm.at[pl.ds(sid * rows_pt, rows_pt)],
                        acc.at[pl.ds(sid * rows_pt, rows_pt)])
        plsc.subcore_barrier()

        base = wid * per_w

        def issue(k, b):
            off = base + k * CHUNK
            pltpu.sync_copy(src_hbm.at[pl.ds(off, CHUNK)], srcv.at[b])
            pltpu.sync_copy(dst_hbm.at[pl.ds(off, CHUNK)], dstv.at[b])
            pltpu.sync_copy(w_hbm.at[pl.ds(off, CHUNK)], wvm.at[b])
            pltpu.async_copy(x_hbm.at[srcv.at[b]], rows.at[b], gsem.at[b])

        def wait_gather(b):
            pltpu.make_async_copy(x_hbm.at[srcv.at[b]], rows.at[b],
                                  gsem.at[b]).wait()

        def wait_scatter(b):
            pltpu.make_async_copy(rows.at[b], acc.at[dstv.at[b]],
                                  ssem.at[b]).wait()

        def process(b):
            wait_gather(b)

            @pl.loop(0, CHUNK)
            def _(i):
                wv = plsc.load_gather(
                    wvm.at[b], [jnp.full((LANES,), i, jnp.int32)])
                for j in range(nj):
                    sl = pl.ds(j * LANES, LANES)
                    rows[b, i, sl] = rows[b, i, sl] * wv

            pltpu.async_copy(rows.at[b], acc.at[dstv.at[b]], ssem.at[b],
                             add=True)

        issue(0, 0)
        issue(1, 1)

        @pl.loop(0, n_pairs)
        def _(p):
            k0 = 2 * p
            process(0)

            @pl.when(p < n_pairs - 1)
            def _():
                wait_scatter(0)
                issue(k0 + 2, 0)

            process(1)

            @pl.when(p < n_pairs - 1)
            def _():
                wait_scatter(1)
                issue(k0 + 3, 1)

        wait_scatter(0)
        wait_scatter(1)
        plsc.subcore_barrier()
        pltpu.sync_copy(acc.at[pl.ds(sid * rows_pt, rows_pt)],
                        out_hbm.at[cid, pl.ds(sid * rows_pt, rows_pt)])

    return sc_agg


def _tc_combine(partials, W, bias, n_pad, d):
    blk = n_pad // 8
    assert n_pad % blk == 0 and blk % 8 == 0

    def body(p0_ref, p1_ref, w_ref, b_ref, o_ref):
        acc = p0_ref[0] + p1_ref[0]
        o_ref[...] = (
            jnp.dot(acc, w_ref[...], preferred_element_type=jnp.float32,
                    precision=lax.Precision.HIGHEST)
            + b_ref[...]
        )

    return pl.pallas_call(
        body,
        grid=(n_pad // blk,),
        in_specs=[
            pl.BlockSpec((1, blk, d), lambda i: (0, i, 0)),
            pl.BlockSpec((1, blk, d), lambda i: (1, i, 0)),
            pl.BlockSpec((d, d), lambda i: (0, 0)),
            pl.BlockSpec((1, d), lambda i: (0, 0)),
        ],
        out_specs=pl.BlockSpec((blk, d), lambda i: (i, 0)),
        out_shape=jax.ShapeDtypeStruct((n_pad, d), jnp.float32),
    )(partials, partials, W, bias.reshape(1, d))


def kernel(x, edge_index, edge_weight, W, bias):
    n, d = x.shape
    e = edge_weight.shape[0]

    step = NW * CHUNK * NBUF
    e_pad = ((e + step - 1) // step) * step
    row_q = N_SUBCORES * 8
    n_pad = ((n + row_q - 1) // row_q) * row_q

    dst = edge_index[0]
    src = edge_index[1]
    w = edge_weight
    if e_pad != e:
        dst = jnp.pad(dst, (0, e_pad - e))
        src = jnp.pad(src, (0, e_pad - e))
        w = jnp.pad(w, (0, e_pad - e))

    zeros = jnp.zeros((n_pad, d), dtype=jnp.float32)
    sc_agg = _make_sc_aggregate(n_pad, d, e_pad)
    partials = sc_agg(x, dst, src, w, zeros)
    out = _tc_combine(partials, W, bias, n_pad, d)
    return out[:n]

# --- scband reference (transcript-rebuilt; emitter-appended) ---
"""Pipeline reference for scband-graph-conv-31585189495343 (READ-ONLY COPY).

The authoritative reference and input builder live on the scoring server;
editing this copy changes nothing except your own understanding.
"""

import jax, jax.numpy as jnp
import numpy as np

N = 10000
E = 320000
D_IN = 128
D_OUT = 128


def setup_inputs(seed: int = 0) -> dict:
    key = jax.random.key(seed)
    k1, k2, k3, k4 = jax.random.split(key, 4)
    x = jax.random.normal(k1, (N, D_IN), dtype=jnp.float32)
    edge_index = jax.random.randint(k2, (2, E), 0, N, dtype=jnp.int32)
    edge_weight = jax.random.uniform(k3, (E,), dtype=jnp.float32)
    # Learned parameters sized per init_kwargs (xavier_uniform for weight, zeros for bias)
    limit = float(np.sqrt(6.0 / (D_IN + D_OUT)))
    W = jax.random.uniform(k4, (D_IN, D_OUT), minval=-limit, maxval=limit, dtype=jnp.float32)
    bias = jnp.zeros((D_OUT,), dtype=jnp.float32)
    return {"x": x, "edge_index": edge_index, "edge_weight": edge_weight, "W": W, "bias": bias}


def reference(x, edge_index, edge_weight, W, bias):
    # support = x @ W  (torch.mm(x, self.weight))
    support = jnp.dot(x, W)
    # sparse adj @ support: adj given in COO form (edge_index, edge_weight).
    # row i of output = sum_j adj[i, j] * support[j]
    dst = edge_index[0]
    src = edge_index[1]
    msgs = jnp.take(support, src, axis=0) * edge_weight[:, None]
    out = jax.ops.segment_sum(msgs, dst, num_segments=N)
    return out + bias

if __name__ == "__main__":
    import jax
    _d = setup_inputs()
    print(jax.jit(kernel)(*tuple(_d.values())))

</pallas_src>

<mosaic_0001>
#map = affine_map<(d0, d1) -> (0, 0)>
#map1 = affine_map<(d0, d1) -> (0)>
#map2 = affine_map<(d0, d1) -> (0, 0, 0)>
module attributes {stable_mosaic.version = 14 : i64} {
  func.func @sc_agg(%arg0: i32, %arg1: i32, %arg2: memref<10000x128xf32, #tpu.memory_space<hbm>>, %arg3: memref<327680xi32, #tpu.memory_space<hbm>>, %arg4: memref<327680xi32, #tpu.memory_space<hbm>>, %arg5: memref<327680xf32, #tpu.memory_space<hbm>>, %arg6: memref<10112x128xf32, #tpu.memory_space<hbm>>, %arg7: memref<2x10112x128xf32, #tpu.memory_space<hbm>>, %arg8: memref<10112x128xf32, #tpu.memory_space<vmem_shared>>, %arg9: memref<2x128xi32, #tpu.memory_space<vmem>>, %arg10: memref<2x128xi32, #tpu.memory_space<vmem>>, %arg11: memref<2x128x128xf32, #tpu.memory_space<vmem>>, %arg12: memref<2x128xf32, #tpu.memory_space<vmem>>, %arg13: memref<2x!tpu.dma_semaphore, #tpu.memory_space<semaphore_mem>>, %arg14: memref<2x!tpu.dma_semaphore, #tpu.memory_space<semaphore_mem>>) attributes {dimension_semantics = [#tpu.dimension_semantics<core_parallel>, #tpu.dimension_semantics<subcore_parallel>], iteration_bounds = array<i64: 2, 16>, scalar_prefetch = 0 : i64, scratch_operands = 7 : i64, tpu.core_type = #tpu.core_type<sc_vector_subcore>, window_params = [{transform_indices = #map}, {transform_indices = #map1}, {transform_indices = #map1}, {transform_indices = #map1}, {transform_indices = #map}, {transform_indices = #map2}]} {
    %mul3A = arith.constant 16 : i32
    %mul3A_0 = arith.muli %arg0, %mul3A : i32
    %add3A = arith.addi %mul3A_0, %arg1 : i32
    %mul3A_1 = arith.constant 632 : i32
    %mul3A_2 = arith.muli %arg1, %mul3A_1 : i32
    %mul3A_3 = arith.constant 632 : i32
    %mul3A_4 = arith.muli %arg1, %mul3A_3 : i32
    "tpu.region"() ({
      %run_scoped3A_83 = tpu.sem_alloc : memref<!tpu.dma_semaphore, #tpu.memory_space<semaphore_mem>>
      %dma_start3A_84 = arith.constant 0 : i32
      %dma_start3A_85 = tpu.memref_slice %arg8[%mul3A_4, %dma_start3A_84] : memref<10112x128xf32, #tpu.memory_space<vmem_shared>> -> memref<632x128xf32, #tpu.memory_space<vmem_shared>>
      %dma_start3A_86 = arith.constant 0 : i32
      %dma_start3A_87 = tpu.memref_slice %arg6[%mul3A_2, %dma_start3A_86] : memref<10112x128xf32, #tpu.memory_space<hbm>> -> memref<632x128xf32, #tpu.memory_space<hbm>>
      tpu.enqueue_dma source(%dma_start3A_87 : memref<632x128xf32, #tpu.memory_space<hbm>>) target(%dma_start3A_85 : memref<632x128xf32, #tpu.memory_space<vmem_shared>>) target_semaphore(%run_scoped3A_83 : memref<!tpu.dma_semaphore, #tpu.memory_space<semaphore_mem>>)
      %dma_wait3A_88 = arith.constant 0 : i32
      %dma_wait3A_89 = tpu.memref_slice %arg8[%mul3A_4, %dma_wait3A_88] : memref<10112x128xf32, #tpu.memory_space<vmem_shared>> -> memref<632x128xf32, #tpu.memory_space<vmem_shared>>
      %dma_wait3A_90 = arith.constant 0 : i32
      %dma_wait3A_91 = tpu.memref_slice %arg6[%mul3A_2, %dma_wait3A_90] : memref<10112x128xf32, #tpu.memory_space<hbm>> -> memref<632x128xf32, #tpu.memory_space<hbm>>
      tpu.wait_dma2 semaphore(%run_scoped3A_83 : memref<!tpu.dma_semaphore, #tpu.memory_space<semaphore_mem>>) src(%dma_wait3A_91 : memref<632x128xf32, #tpu.memory_space<hbm>>) dst(%dma_wait3A_89 : memref<632x128xf32, #tpu.memory_space<vmem_shared>>)
      tpu.yield
    }) : () -> ()
    %barrier3A = arith.constant 0 : index
    tpu.barrier barrier_id(%barrier3A)
    %mul3A_5 = arith.constant 10240 : i32
    %mul3A_6 = arith.muli %add3A, %mul3A_5 : i32
    %add3A_7 = arith.constant 0 : i32
    %add3A_8 = arith.addi %mul3A_6, %add3A_7 : i32
    %run_scoped3A = arith.constant 0 : i32
    "tpu.region"() ({
      %run_scoped3A_83 = tpu.sem_alloc : memref<!tpu.dma_semaphore, #tpu.memory_space<semaphore_mem>>
      %dma_start3A_84 = arith.constant 0 : i32
      %dma_start3A_85 = tpu.memref_slice %arg9[%run_scoped3A, %dma_start3A_84] : memref<2x128xi32, #tpu.memory_space<vmem>> -> memref<1x128xi32, #tpu.memory_space<vmem>>
      %dma_start3A_86 = tpu.memref_squeeze %dma_start3A_85 : memref<1x128xi32, #tpu.memory_space<vmem>> -> memref<128xi32, #tpu.memory_space<vmem>>
      %dma_start3A_87 = tpu.memref_slice %arg4[%add3A_8] : memref<327680xi32, #tpu.memory_space<hbm>> -> memref<128xi32, #tpu.memory_space<hbm>>
      %dma_start3A_88 = arith.constant 0 : i32
      %dma_start3A_89 = tpu.memref_slice %arg9[%run_scoped3A, %dma_start3A_88] : memref<2x128xi32, #tpu.memory_space<vmem>> -> memref<1x128xi32, #tpu.memory_space<vmem>>
      %dma_start3A_90 = tpu.memref_squeeze %dma_start3A_89 : memref<1x128xi32, #tpu.memory_space<vmem>> -> memref<128xi32, #tpu.memory_space<vmem>>
      %dma_start3A_91 = tpu.memref_slice %arg4[%add3A_8] : memref<327680xi32, #tpu.memory_space<hbm>> -> memref<128xi32, #tpu.memory_space<hbm>>
      tpu.enqueue_dma source(%dma_start3A_91 : memref<128xi32, #tpu.memory_space<hbm>>) target(%dma_start3A_90 : memref<128xi32, #tpu.memory_space<vmem>>) target_semaphore(%run_scoped3A_83 : memref<!tpu.dma_semaphore, #tpu.memory_space<semaphore_mem>>)
      %dma_wait3A_92 = arith.constant 0 : i32
      %dma_wait3A_93 = tpu.memref_slice %arg9[%run_scoped3A, %dma_wait3A_92] : memref<2x128xi32, #tpu.memory_space<vmem>> -> memref<1x128xi32, #tpu.memory_space<vmem>>
      %dma_wait3A_94 = tpu.memref_squeeze %dma_wait3A_93 : memref<1x128xi32, #tpu.memory_space<vmem>> -> memref<128xi32, #tpu.memory_space<vmem>>
      %dma_wait3A_95 = tpu.memref_slice %arg4[%add3A_8] : memref<327680xi32, #tpu.memory_space<hbm>> -> memref<128xi32, #tpu.memory_space<hbm>>
      %dma_wait3A_96 = arith.constant 0 : i32
      %dma_wait3A_97 = tpu.memref_slice %arg9[%run_scoped3A, %dma_wait3A_96] : memref<2x128xi32, #tpu.memory_space<vmem>> -> memref<1x128xi32, #tpu.memory_space<vmem>>
      %dma_wait3A_98 = tpu.memref_squeeze %dma_wait3A_97 : memref<1x128xi32, #tpu.memory_space<vmem>> -> memref<128xi32, #tpu.memory_space<vmem>>
      %dma_wait3A_99 = tpu.memref_slice %arg4[%add3A_8] : memref<327680xi32, #tpu.memory_space<hbm>> -> memref<128xi32, #tpu.memory_space<hbm>>
      tpu.wait_dma2 semaphore(%run_scoped3A_83 : memref<!tpu.dma_semaphore, #tpu.memory_space<semaphore_mem>>) src(%dma_wait3A_99 : memref<128xi32, #tpu.memory_space<hbm>>) dst(%dma_wait3A_98 : memref<128xi32, #tpu.memory_space<vmem>>)
      tpu.yield
    }) : () -> ()
    %run_scoped3A_9 = arith.constant 0 : i32
    "tpu.region"() ({
      %run_scoped3A_83 = tpu.sem_alloc : memref<!tpu.dma_semaphore, #tpu.memory_space<semaphore_mem>>
      %dma_start3A_84 = arith.constant 0 : i32
      %dma_start3A_85 = tpu.memref_slice %arg10[%run_scoped3A_9, %dma_start3A_84] : memref<2x128xi32, #tpu.memory_space<vmem>> -> memref<1x128xi32, #tpu.memory_space<vmem>>
      %dma_start3A_86 = tpu.memref_squeeze %dma_start3A_85 : memref<1x128xi32, #tpu.memory_space<vmem>> -> memref<128xi32, #tpu.memory_space<vmem>>
      %dma_start3A_87 = tpu.memref_slice %arg3[%add3A_8] : memref<327680xi32, #tpu.memory_space<hbm>> -> memref<128xi32, #tpu.memory_space<hbm>>
      %dma_start3A_88 = arith.constant 0 : i32
      %dma_start3A_89 = tpu.memref_slice %arg10[%run_scoped3A_9, %dma_start3A_88] : memref<2x128xi32, #tpu.memory_space<vmem>> -> memref<1x128xi32, #tpu.memory_space<vmem>>
      %dma_start3A_90 = tpu.memref_squeeze %dma_start3A_89 : memref<1x128xi32, #tpu.memory_space<vmem>> -> memref<128xi32, #tpu.memory_space<vmem>>
      %dma_start3A_91 = tpu.memref_slice %arg3[%add3A_8] : memref<327680xi32, #tpu.memory_space<hbm>> -> memref<128xi32, #tpu.memory_space<hbm>>
      tpu.enqueue_dma source(%dma_start3A_91 : memref<128xi32, #tpu.memory_space<hbm>>) target(%dma_start3A_90 : memref<128xi32, #tpu.memory_space<vmem>>) target_semaphore(%run_scoped3A_83 : memref<!tpu.dma_semaphore, #tpu.memory_space<semaphore_mem>>)
      %dma_wait3A_92 = arith.constant 0 : i32
      %dma_wait3A_93 = tpu.memref_slice %arg10[%run_scoped3A_9, %dma_wait3A_92] : memref<2x128xi32, #tpu.memory_space<vmem>> -> memref<1x128xi32, #tpu.memory_space<vmem>>
      %dma_wait3A_94 = tpu.memref_squeeze %dma_wait3A_93 : memref<1x128xi32, #tpu.memory_space<vmem>> -> memref<128xi32, #tpu.memory_space<vmem>>
      %dma_wait3A_95 = tpu.memref_slice %arg3[%add3A_8] : memref<327680xi32, #tpu.memory_space<hbm>> -> memref<128xi32, #tpu.memory_space<hbm>>
      %dma_wait3A_96 = arith.constant 0 : i32
      %dma_wait3A_97 = tpu.memref_slice %arg10[%run_scoped3A_9, %dma_wait3A_96] : memref<2x128xi32, #tpu.memory_space<vmem>> -> memref<1x128xi32, #tpu.memory_space<vmem>>
      %dma_wait3A_98 = tpu.memref_squeeze %dma_wait3A_97 : memref<1x128xi32, #tpu.memory_space<vmem>> -> memref<128xi32, #tpu.memory_space<vmem>>
      %dma_wait3A_99 = tpu.memref_slice %arg3[%add3A_8] : memref<327680xi32, #tpu.memory_space<hbm>> -> memref<128xi32, #tpu.memory_space<hbm>>
      tpu.wait_dma2 semaphore(%run_scoped3A_83 : memref<!tpu.dma_semaphore, #tpu.memory_space<semaphore_mem>>) src(%dma_wait3A_99 : memref<128xi32, #tpu.memory_space<hbm>>) dst(%dma_wait3A_98 : memref<128xi32, #tpu.memory_space<vmem>>)
      tpu.yield
    }) : () -> ()
    %run_scoped3A_10 = arith.constant 0 : i32
    "tpu.region"() ({
      %run_scoped3A_83 = tpu.sem_alloc : memref<!tpu.dma_semaphore, #tpu.memory_space<semaphore_mem>>
      %dma_start3A_84 = arith.constant 0 : i32
      %dma_start3A_85 = tpu.memref_slice %arg12[%run_scoped3A_10, %dma_start3A_84] : memref<2x128xf32, #tpu.memory_space<vmem>> -> memref<1x128xf32, #tpu.memory_space<vmem>>
      %dma_start3A_86 = tpu.memref_squeeze %dma_start3A_85 : memref<1x128xf32, #tpu.memory_space<vmem>> -> memref<128xf32, #tpu.memory_space<vmem>>
      %dma_start3A_87 = tpu.memref_slice %arg5[%add3A_8] : memref<327680xf32, #tpu.memory_space<hbm>> -> memref<128xf32, #tpu.memory_space<hbm>>
      %dma_start3A_88 = arith.constant 0 : i32
      %dma_start3A_89 = tpu.memref_slice %arg12[%run_scoped3A_10, %dma_start3A_88] : memref<2x128xf32, #tpu.memory_space<vmem>> -> memref<1x128xf32, #tpu.memory_space<vmem>>
      %dma_start3A_90 = tpu.memref_squeeze %dma_start3A_89 : memref<1x128xf32, #tpu.memory_space<vmem>> -> memref<128xf32, #tpu.memory_space<vmem>>
      %dma_start3A_91 = tpu.memref_slice %arg5[%add3A_8] : memref<327680xf32, #tpu.memory_space<hbm>> -> memref<128xf32, #tpu.memory_space<hbm>>
      tpu.enqueue_dma source(%dma_start3A_91 : memref<128xf32, #tpu.memory_space<hbm>>) target(%dma_start3A_90 : memref<128xf32, #tpu.memory_space<vmem>>) target_semaphore(%run_scoped3A_83 : memref<!tpu.dma_semaphore, #tpu.memory_space<semaphore_mem>>)
      %dma_wait3A_92 = arith.constant 0 : i32
      %dma_wait3A_93 = tpu.memref_slice %arg12[%run_scoped3A_10, %dma_wait3A_92] : memref<2x128xf32, #tpu.memory_space<vmem>> -> memref<1x128xf32, #tpu.memory_space<vmem>>
      %dma_wait3A_94 = tpu.memref_squeeze %dma_wait3A_93 : memref<1x128xf32, #tpu.memory_space<vmem>> -> memref<128xf32, #tpu.memory_space<vmem>>
      %dma_wait3A_95 = tpu.memref_slice %arg5[%add3A_8] : memref<327680xf32, #tpu.memory_space<hbm>> -> memref<128xf32, #tpu.memory_space<hbm>>
      %dma_wait3A_96 = arith.constant 0 : i32
      %dma_wait3A_97 = tpu.memref_slice %arg12[%run_scoped3A_10, %dma_wait3A_96] : memref<2x128xf32, #tpu.memory_space<vmem>> -> memref<1x128xf32, #tpu.memory_space<vmem>>
      %dma_wait3A_98 = tpu.memref_squeeze %dma_wait3A_97 : memref<1x128xf32, #tpu.memory_space<vmem>> -> memref<128xf32, #tpu.memory_space<vmem>>
      %dma_wait3A_99 = tpu.memref_slice %arg5[%add3A_8] : memref<327680xf32, #tpu.memory_space<hbm>> -> memref<128xf32, #tpu.memory_space<hbm>>
      tpu.wait_dma2 semaphore(%run_scoped3A_83 : memref<!tpu.dma_semaphore, #tpu.memory_space<semaphore_mem>>) src(%dma_wait3A_99 : memref<128xf32, #tpu.memory_space<hbm>>) dst(%dma_wait3A_98 : memref<128xf32, #tpu.memory_space<vmem>>)
      tpu.yield
    }) : () -> ()
    %dma_start3A = arith.constant 0 : i32
    %dma_start3A_11 = arith.constant 0 : i32
    %dma_start3A_12 = arith.constant 0 : i32
    %dma_start3A_13 = arith.constant 0 : i32
    %dma_start3A_14 = arith.constant 0 : i32
    %dma_start3A_15 = tpu.memref_slice %arg11[%dma_start3A_11, %dma_start3A_13, %dma_start3A_14] : memref<2x128x128xf32, #tpu.memory_space<vmem>> -> memref<1x128x128xf32, #tpu.memory_space<vmem>>
    %dma_start3A_16 = tpu.memref_squeeze %dma_start3A_15 : memref<1x128x128xf32, #tpu.memory_space<vmem>> -> memref<128x128xf32, #tpu.memory_space<vmem>>
    %dma_start3A_17 = arith.constant 0 : i32
    %dma_start3A_18 = tpu.memref_slice %arg9[%dma_start3A, %dma_start3A_17] : memref<2x128xi32, #tpu.memory_space<vmem>> -> memref<1x128xi32, #tpu.memory_space<vmem>>
    %dma_start3A_19 = tpu.memref_squeeze %dma_start3A_18 : memref<1x128xi32, #tpu.memory_space<vmem>> -> memref<128xi32, #tpu.memory_space<vmem>>
    %dma_start3A_20 = arith.constant 0 : i32
    %dma_start3A_21 = arith.constant 0 : i32
    %dma_start3A_22 = tpu.memref_slice %arg2[%dma_start3A_20, %dma_start3A_21] : memref<10000x128xf32, #tpu.memory_space<hbm>> -> memref<10000x128xf32, #tpu.memory_space<hbm>>
    %dma_start3A_23 = tpu.memref_slice %arg13[%dma_start3A_12] : memref<2x!tpu.dma_semaphore, #tpu.memory_space<semaphore_mem>> -> memref<1x!tpu.dma_semaphore, #tpu.memory_space<semaphore_mem>>
    %dma_start3A_24 = tpu.memref_squeeze %dma_start3A_23 : memref<1x!tpu.dma_semaphore, #tpu.memory_space<semaphore_mem>> -> memref<!tpu.dma_semaphore, #tpu.memory_space<semaphore_mem>>
    tpu.enqueue_indirect_dma source(%dma_start3A_22 : memref<10000x128xf32, #tpu.memory_space<hbm>>) target(%dma_start3A_16 : memref<128x128xf32, #tpu.memory_space<vmem>>) offsets(%dma_start3A_19 : memref<128xi32, #tpu.memory_space<vmem>>) semaphore(%dma_start3A_24 : memref<!tpu.dma_semaphore, #tpu.memory_space<semaphore_mem>>)
    %add3A_25 = arith.constant 128 : i32
    %add3A_26 = arith.addi %mul3A_6, %add3A_25 : i32
    %run_scoped3A_27 = arith.constant 1 : i32
    "tpu.region"() ({
      %run_scoped3A_83 = tpu.sem_alloc : memref<!tpu.dma_semaphore, #tpu.memory_space<semaphore_mem>>
      %dma_start3A_84 = arith.constant 0 : i32
      %dma_start3A_85 = tpu.memref_slice %arg9[%run_scoped3A_27, %dma_start3A_84] : memref<2x128xi32, #tpu.memory_space<vmem>> -> memref<1x128xi32, #tpu.memory_space<vmem>>
      %dma_start3A_86 = tpu.memref_squeeze %dma_start3A_85 : memref<1x128xi32, #tpu.memory_space<vmem>> -> memref<128xi32, #tpu.memory_space<vmem>>
      %dma_start3A_87 = tpu.memref_slice %arg4[%add3A_26] : memref<327680xi32, #tpu.memory_space<hbm>> -> memref<128xi32, #tpu.memory_space<hbm>>
      %dma_start3A_88 = arith.constant 0 : i32
      %dma_start3A_89 = tpu.memref_slice %arg9[%run_scoped3A_27, %dma_start3A_88] : memref<2x128xi32, #tpu.memory_space<vmem>> -> memref<1x128xi32, #tpu.memory_space<vmem>>
      %dma_start3A_90 = tpu.memref_squeeze %dma_start3A_89 : memref<1x128xi32, #tpu.memory_space<vmem>> -> memref<128xi32, #tpu.memory_space<vmem>>
      %dma_start3A_91 = tpu.memref_slice %arg4[%add3A_26] : memref<327680xi32, #tpu.memory_space<hbm>> -> memref<128xi32, #tpu.memory_space<hbm>>
      tpu.enqueue_dma source(%dma_start3A_91 : memref<128xi32, #tpu.memory_space<hbm>>) target(%dma_start3A_90 : memref<128xi32, #tpu.memory_space<vmem>>) target_semaphore(%run_scoped3A_83 : memref<!tpu.dma_semaphore, #tpu.memory_space<semaphore_mem>>)
      %dma_wait3A_92 = arith.constant 0 : i32
      %dma_wait3A_93 = tpu.memref_slice %arg9[%run_scoped3A_27, %dma_wait3A_92] : memref<2x128xi32, #tpu.memory_space<vmem>> -> memref<1x128xi32, #tpu.memory_space<vmem>>
      %dma_wait3A_94 = tpu.memref_squeeze %dma_wait3A_93 : memref<1x128xi32, #tpu.memory_space<vmem>> -> memref<128xi32, #tpu.memory_space<vmem>>
      %dma_wait3A_95 = tpu.memref_slice %arg4[%add3A_26] : memref<327680xi32, #tpu.memory_space<hbm>> -> memref<128xi32, #tpu.memory_space<hbm>>
      %dma_wait3A_96 = arith.constant 0 : i32
      %dma_wait3A_97 = tpu.memref_slice %arg9[%run_scoped3A_27, %dma_wait3A_96] : memref<2x128xi32, #tpu.memory_space<vmem>> -> memref<1x128xi32, #tpu.memory_space<vmem>>
      %dma_wait3A_98 = tpu.memref_squeeze %dma_wait3A_97 : memref<1x128xi32, #tpu.memory_space<vmem>> -> memref<128xi32, #tpu.memory_space<vmem>>
      %dma_wait3A_99 = tpu.memref_slice %arg4[%add3A_26] : memref<327680xi32, #tpu.memory_space<hbm>> -> memref<128xi32, #tpu.memory_space<hbm>>
      tpu.wait_dma2 semaphore(%run_scoped3A_83 : memref<!tpu.dma_semaphore, #tpu.memory_space<semaphore_mem>>) src(%dma_wait3A_99 : memref<128xi32, #tpu.memory_space<hbm>>) dst(%dma_wait3A_98 : memref<128xi32, #tpu.memory_space<vmem>>)
      tpu.yield
    }) : () -> ()
    %run_scoped3A_28 = arith.constant 1 : i32
    "tpu.region"() ({
      %run_scoped3A_83 = tpu.sem_alloc : memref<!tpu.dma_semaphore, #tpu.memory_space<semaphore_mem>>
      %dma_start3A_84 = arith.constant 0 : i32
      %dma_start3A_85 = tpu.memref_slice %arg10[%run_scoped3A_28, %dma_start3A_84] : memref<2x128xi32, #tpu.memory_space<vmem>> -> memref<1x128xi32, #tpu.memory_space<vmem>>
      %dma_start3A_86 = tpu.memref_squeeze %dma_start3A_85 : memref<1x128xi32, #tpu.memory_space<vmem>> -> memref<128xi32, #tpu.memory_space<vmem>>
      %dma_start3A_87 = tpu.memref_slice %arg3[%add3A_26] : memref<327680xi32, #tpu.memory_space<hbm>> -> memref<128xi32, #tpu.memory_space<hbm>>
      %dma_start3A_88 = arith.constant 0 : i32
      %dma_start3A_89 = tpu.memref_slice %arg10[%run_scoped3A_28, %dma_start3A_88] : memref<2x128xi32, #tpu.memory_space<vmem>> -> memref<1x128xi32, #tpu.memory_space<vmem>>
      %dma_start3A_90 = tpu.memref_squeeze %dma_start3A_89 : memref<1x128xi32, #tpu.memory_space<vmem>> -> memref<128xi32, #tpu.memory_space<vmem>>
      %dma_start3A_91 = tpu.memref_slice %arg3[%add3A_26] : memref<327680xi32, #tpu.memory_space<hbm>> -> memref<128xi32, #tpu.memory_space<hbm>>
      tpu.enqueue_dma source(%dma_start3A_91 : memref<128xi32, #tpu.memory_space<hbm>>) target(%dma_start3A_90 : memref<128xi32, #tpu.memory_space<vmem>>) target_semaphore(%run_scoped3A_83 : memref<!tpu.dma_semaphore, #tpu.memory_space<semaphore_mem>>)
      %dma_wait3A_92 = arith.constant 0 : i32
      %dma_wait3A_93 = tpu.memref_slice %arg10[%run_scoped3A_28, %dma_wait3A_92] : memref<2x128xi32, #tpu.memory_space<vmem>> -> memref<1x128xi32, #tpu.memory_space<vmem>>
      %dma_wait3A_94 = tpu.memref_squeeze %dma_wait3A_93 : memref<1x128xi32, #tpu.memory_space<vmem>> -> memref<128xi32, #tpu.memory_space<vmem>>
      %dma_wait3A_95 = tpu.memref_slice %arg3[%add3A_26] : memref<327680xi32, #tpu.memory_space<hbm>> -> memref<128xi32, #tpu.memory_space<hbm>>
      %dma_wait3A_96 = arith.constant 0 : i32
      %dma_wait3A_97 = tpu.memref_slice %arg10[%run_scoped3A_28, %dma_wait3A_96] : memref<2x128xi32, #tpu.memory_space<vmem>> -> memref<1x128xi32, #tpu.memory_space<vmem>>
      %dma_wait3A_98 = tpu.memref_squeeze %dma_wait3A_97 : memref<1x128xi32, #tpu.memory_space<vmem>> -> memref<128xi32, #tpu.memory_space<vmem>>
      %dma_wait3A_99 = tpu.memref_slice %arg3[%add3A_26] : memref<327680xi32, #tpu.memory_space<hbm>> -> memref<128xi32, #tpu.memory_space<hbm>>
      tpu.wait_dma2 semaphore(%run_scoped3A_83 : memref<!tpu.dma_semaphore, #tpu.memory_space<semaphore_mem>>) src(%dma_wait3A_99 : memref<128xi32, #tpu.memory_space<hbm>>) dst(%dma_wait3A_98 : memref<128xi32, #tpu.memory_space<vmem>>)
      tpu.yield
    }) : () -> ()
    %run_scoped3A_29 = arith.constant 1 : i32
    "tpu.region"() ({
      %run_scoped3A_83 = tpu.sem_alloc : memref<!tpu.dma_semaphore, #tpu.memory_space<semaphore_mem>>
      %dma_start3A_84 = arith.constant 0 : i32
      %dma_start3A_85 = tpu.memref_slice %arg12[%run_scoped3A_29, %dma_start3A_84] : memref<2x128xf32, #tpu.memory_space<vmem>> -> memref<1x128xf32, #tpu.memory_space<vmem>>
      %dma_start3A_86 = tpu.memref_squeeze %dma_start3A_85 : memref<1x128xf32, #tpu.memory_space<vmem>> -> memref<128xf32, #tpu.memory_space<vmem>>
      %dma_start3A_87 = tpu.memref_slice %arg5[%add3A_26] : memref<327680xf32, #tpu.memory_space<hbm>> -> memref<128xf32, #tpu.memory_space<hbm>>
      %dma_start3A_88 = arith.constant 0 : i32
      %dma_start3A_89 = tpu.memref_slice %arg12[%run_scoped3A_29, %dma_start3A_88] : memref<2x128xf32, #tpu.memory_space<vmem>> -> memref<1x128xf32, #tpu.memory_space<vmem>>
      %dma_start3A_90 = tpu.memref_squeeze %dma_start3A_89 : memref<1x128xf32, #tpu.memory_space<vmem>> -> memref<128xf32, #tpu.memory_space<vmem>>
      %dma_start3A_91 = tpu.memref_slice %arg5[%add3A_26] : memref<327680xf32, #tpu.memory_space<hbm>> -> memref<128xf32, #tpu.memory_space<hbm>>
      tpu.enqueue_dma source(%dma_start3A_91 : memref<128xf32, #tpu.memory_space<hbm>>) target(%dma_start3A_90 : memref<128xf32, #tpu.memory_space<vmem>>) target_semaphore(%run_scoped3A_83 : memref<!tpu.dma_semaphore, #tpu.memory_space<semaphore_mem>>)
      %dma_wait3A_92 = arith.constant 0 : i32
      %dma_wait3A_93 = tpu.memref_slice %arg12[%run_scoped3A_29, %dma_wait3A_92] : memref<2x128xf32, #tpu.memory_space<vmem>> -> memref<1x128xf32, #tpu.memory_space<vmem>>
      %dma_wait3A_94 = tpu.memref_squeeze %dma_wait3A_93 : memref<1x128xf32, #tpu.memory_space<vmem>> -> memref<128xf32, #tpu.memory_space<vmem>>
      %dma_wait3A_95 = tpu.memref_slice %arg5[%add3A_26] : memref<327680xf32, #tpu.memory_space<hbm>> -> memref<128xf32, #tpu.memory_space<hbm>>
      %dma_wait3A_96 = arith.constant 0 : i32
      %dma_wait3A_97 = tpu.memref_slice %arg12[%run_scoped3A_29, %dma_wait3A_96] : memref<2x128xf32, #tpu.memory_space<vmem>> -> memref<1x128xf32, #tpu.memory_space<vmem>>
      %dma_wait3A_98 = tpu.memref_squeeze %dma_wait3A_97 : memref<1x128xf32, #tpu.memory_space<vmem>> -> memref<128xf32, #tpu.memory_space<vmem>>
      %dma_wait3A_99 = tpu.memref_slice %arg5[%add3A_26] : memref<327680xf32, #tpu.memory_space<hbm>> -> memref<128xf32, #tpu.memory_space<hbm>>
      tpu.wait_dma2 semaphore(%run_scoped3A_83 : memref<!tpu.dma_semaphore, #tpu.memory_space<semaphore_mem>>) src(%dma_wait3A_99 : memref<128xf32, #tpu.memory_space<hbm>>) dst(%dma_wait3A_98 : memref<128xf32, #tpu.memory_space<vmem>>)
      tpu.yield
    }) : () -> ()
    %dma_start3A_30 = arith.constant 1 : i32
    %dma_start3A_31 = arith.constant 1 : i32
    %dma_start3A_32 = arith.constant 1 : i32
    %dma_start3A_33 = arith.constant 0 : i32
    %dma_start3A_34 = arith.constant 0 : i32
    %dma_start3A_35 = tpu.memref_slice %arg11[%dma_start3A_31, %dma_start3A_33, %dma_start3A_34] : memref<2x128x128xf32, #tpu.memory_space<vmem>> -> memref<1x128x128xf32, #tpu.memory_space<vmem>>
    %dma_start3A_36 = tpu.memref_squeeze %dma_start3A_35 : memref<1x128x128xf32, #tpu.memory_space<vmem>> -> memref<128x128xf32, #tpu.memory_space<vmem>>
    %dma_start3A_37 = arith.constant 0 : i32
    %dma_start3A_38 = tpu.memref_slice %arg9[%dma_start3A_30, %dma_start3A_37] : memref<2x128xi32, #tpu.memory_space<vmem>> -> memref<1x128xi32, #tpu.memory_space<vmem>>
    %dma_start3A_39 = tpu.memref_squeeze %dma_start3A_38 : memref<1x128xi32, #tpu.memory_space<vmem>> -> memref<128xi32, #tpu.memory_space<vmem>>
    %dma_start3A_40 = arith.constant 0 : i32
    %dma_start3A_41 = arith.constant 0 : i32
    %dma_start3A_42 = tpu.memref_slice %arg2[%dma_start3A_40, %dma_start3A_41] : memref<10000x128xf32, #tpu.memory_space<hbm>> -> memref<10000x128xf32, #tpu.memory_space<hbm>>
    %dma_start3A_43 = tpu.memref_slice %arg13[%dma_start3A_32] : memref<2x!tpu.dma_semaphore, #tpu.memory_space<semaphore_mem>> -> memref<1x!tpu.dma_semaphore, #tpu.memory_space<semaphore_mem>>
    %dma_start3A_44 = tpu.memref_squeeze %dma_start3A_43 : memref<1x!tpu.dma_semaphore, #tpu.memory_space<semaphore_mem>> -> memref<!tpu.dma_semaphore, #tpu.memory_space<semaphore_mem>>
    tpu.enqueue_indirect_dma source(%dma_start3A_42 : memref<10000x128xf32, #tpu.memory_space<hbm>>) target(%dma_start3A_36 : memref<128x128xf32, #tpu.memory_space<vmem>>) offsets(%dma_start3A_39 : memref<128xi32, #tpu.memory_space<vmem>>) semaphore(%dma_start3A_44 : memref<!tpu.dma_semaphore, #tpu.memory_space<semaphore_mem>>)
    %scan3A = arith.constant 0 : i32
    %scan3A_45 = arith.constant 40 : i32
    %scan3A_46 = arith.addi %scan3A, %scan3A_45 : i32
    %scan3A_47 = arith.constant 1 : i32
    scf.for %scan3A_83 = %scan3A to %scan3A_46 step %scan3A_47  : i32 {
      %mul3A_84 = arith.constant 1 : i32
      %mul3A_85 = arith.muli %scan3A_83, %mul3A_84 : i32
      %add3A_86 = arith.constant 0 : i32
      %add3A_87 = arith.addi %add3A_86, %mul3A_85 : i32
      %mul3A_88 = arith.constant 2 : i32
      %mul3A_89 = arith.muli %mul3A_88, %add3A_87 : i32
      %dma_wait3A_90 = arith.constant 0 : i32
      %dma_wait3A_91 = arith.constant 0 : i32
      %dma_wait3A_92 = arith.constant 0 : i32
      %dma_wait3A_93 = arith.constant 0 : i32
      %dma_wait3A_94 = arith.constant 0 : i32
      %dma_wait3A_95 = tpu.memref_slice %arg11[%dma_wait3A_91, %dma_wait3A_93, %dma_wait3A_94] : memref<2x128x128xf32, #tpu.memory_space<vmem>> -> memref<1x128x128xf32, #tpu.memory_space<vmem>>
      %dma_wait3A_96 = tpu.memref_squeeze %dma_wait3A_95 : memref<1x128x128xf32, #tpu.memory_space<vmem>> -> memref<128x128xf32, #tpu.memory_space<vmem>>
      %dma_wait3A_97 = arith.constant 0 : i32
      %dma_wait3A_98 = tpu.memref_slice %arg9[%dma_wait3A_90, %dma_wait3A_97] : memref<2x128xi32, #tpu.memory_space<vmem>> -> memref<1x128xi32, #tpu.memory_space<vmem>>
      %dma_wait3A_99 = tpu.memref_squeeze %dma_wait3A_98 : memref<1x128xi32, #tpu.memory_space<vmem>> -> memref<128xi32, #tpu.memory_space<vmem>>
      %dma_wait3A_100 = arith.constant 0 : i32
      %dma_wait3A_101 = arith.constant 0 : i32
      %dma_wait3A_102 = tpu.memref_slice %arg2[%dma_wait3A_100, %dma_wait3A_101] : memref<10000x128xf32, #tpu.memory_space<hbm>> -> memref<10000x128xf32, #tpu.memory_space<hbm>>
      %dma_wait3A_103 = tpu.memref_slice %arg13[%dma_wait3A_92] : memref<2x!tpu.dma_semaphore, #tpu.memory_space<semaphore_mem>> -> memref<1x!tpu.dma_semaphore, #tpu.memory_space<semaphore_mem>>
      %dma_wait3A_104 = tpu.memref_squeeze %dma_wait3A_103 : memref<1x!tpu.dma_semaphore, #tpu.memory_space<semaphore_mem>> -> memref<!tpu.dma_semaphore, #tpu.memory_space<semaphore_mem>>
      tpu.wait_indirect_dma semaphore(%dma_wait3A_104 : memref<!tpu.dma_semaphore, #tpu.memory_space<semaphore_mem>>) src(%dma_wait3A_102 : memref<10000x128xf32, #tpu.memory_space<hbm>>) dst(%dma_wait3A_96 : memref<128x128xf32, #tpu.memory_space<vmem>>)
      %scan3A_105 = arith.constant 0 : i32
      %scan3A_106 = arith.constant 128 : i32
      %scan3A_107 = arith.addi %scan3A_105, %scan3A_106 : i32
      %scan3A_108 = arith.constant 1 : i32
      scf.for %scan3A_167 = %scan3A_105 to %scan3A_107 step %scan3A_108  : i32 {
        %mul3A_168 = arith.constant 1 : i32
        %mul3A_169 = arith.muli %scan3A_167, %mul3A_168 : i32
        %add3A_170 = arith.constant 0 : i32
        %add3A_171 = arith.addi %add3A_170, %mul3A_169 : i32
        %broadcast_in_dim3A = vector.broadcast %add3A_171 : i32 to vector<16xi32>
        %gather3A = arith.constant 0 : i32
        %gather3A_172 = arith.constant 0 : i32
        %gather3A_173 = tpu.memref_slice %arg12[%gather3A, %gather3A_172] : memref<2x128xf32, #tpu.memory_space<vmem>> -> memref<1x128xf32, #tpu.memory_space<vmem>>
        %gather3A_174 = tpu.memref_squeeze %gather3A_173 : memref<1x128xf32, #tpu.memory_space<vmem>> -> memref<128xf32, #tpu.memory_space<vmem>>
        %gather3A_175 = tpu.vector_load_idx %gather3A_174[%broadcast_in_dim3A] : memref<128xf32, #tpu.memory_space<vmem>>[vector<16xi32>], vector<16xf32>,
        %get3A = arith.constant 0 : i32
        %get3A_176 = arith.index_cast %get3A : i32 to index
        %get3A_177 = arith.index_cast %add3A_171 : i32 to index
        %get3A_178 = arith.constant 0 : index
        %get3A_179 = tpu.vector_load %arg11[%get3A_176, %get3A_177, %get3A_178] {strides = array<i32>} : memref<2x128x128xf32, #tpu.memory_space<vmem>>, vector<16xf32>,
        %mul3A_180 = arith.mulf %get3A_179, %gather3A_175 : vector<16xf32>
        %swap3A = arith.constant 0 : i32
        %swap3A_181 = arith.index_cast %swap3A : i32 to index
        %swap3A_182 = arith.index_cast %add3A_171 : i32 to index
        %swap3A_183 = arith.constant 0 : index
        %swap3A_184 = tpu.vector_load %arg11[%swap3A_181, %swap3A_182, %swap3A_183] {strides = array<i32>} : memref<2x128x128xf32, #tpu.memory_space<vmem>>, vector<16xf32>,
        tpu.vector_store %arg11[%swap3A_181, %swap3A_182, %swap3A_183], %mul3A_180 {strides = array<i32>} : memref<2x128x128xf32, #tpu.memory_space<vmem>>, vector<16xf32>,
        %get3A_185 = arith.constant 0 : i32
        %get3A_186 = arith.index_cast %get3A_185 : i32 to index
        %get3A_187 = arith.index_cast %add3A_171 : i32 to index
        %get3A_188 = arith.constant 16 : index
        %get3A_189 = tpu.vector_load %arg11[%get3A_186, %get3A_187, %get3A_188] {strides = array<i32>} : memref<2x128x128xf32, #tpu.memory_space<vmem>>, vector<16xf32>,
        %mul3A_190 = arith.mulf %get3A_189, %gather3A_175 : vector<16xf32>
        %swap3A_191 = arith.constant 0 : i32
        %swap3A_192 = arith.index_cast %swap3A_191 : i32 to index
        %swap3A_193 = arith.index_cast %add3A_171 : i32 to index
        %swap3A_194 = arith.constant 16 : index
        %swap3A_195 = tpu.vector_load %arg11[%swap3A_192, %swap3A_193, %swap3A_194] {strides = array<i32>} : memref<2x128x128xf32, #tpu.memory_space<vmem>>, vector<16xf32>,
        tpu.vector_store %arg11[%swap3A_192, %swap3A_193, %swap3A_194], %mul3A_190 {strides = array<i32>} : memref<2x128x128xf32, #tpu.memory_space<vmem>>, vector<16xf32>,
        %get3A_196 = arith.constant 0 : i32
        %get3A_197 = arith.index_cast %get3A_196 : i32 to index
        %get3A_198 = arith.index_cast %add3A_171 : i32 to index
        %get3A_199 = arith.constant 32 : index
        %get3A_200 = tpu.vector_load %arg11[%get3A_197, %get3A_198, %get3A_199] {strides = array<i32>} : memref<2x128x128xf32, #tpu.memory_space<vmem>>, vector<16xf32>,
        %mul3A_201 = arith.mulf %get3A_200, %gather3A_175 : vector<16xf32>
        %swap3A_202 = arith.constant 0 : i32
        %swap3A_203 = arith.index_cast %swap3A_202 : i32 to index
        %swap3A_204 = arith.index_cast %add3A_171 : i32 to index
        %swap3A_205 = arith.constant 32 : index
        %swap3A_206 = tpu.vector_load %arg11[%swap3A_203, %swap3A_204, %swap3A_205] {strides = array<i32>} : memref<2x128x128xf32, #tpu.memory_space<vmem>>, vector<16xf32>,
        tpu.vector_store %arg11[%swap3A_203, %swap3A_204, %swap3A_205], %mul3A_201 {strides = array<i32>} : memref<2x128x128xf32, #tpu.memory_space<vmem>>, vector<16xf32>,
        %get3A_207 = arith.constant 0 : i32
        %get3A_208 = arith.index_cast %get3A_207 : i32 to index
        %get3A_209 = arith.index_cast %add3A_171 : i32 to index
        %get3A_210 = arith.constant 48 : index
        %get3A_211 = tpu.vector_load %arg11[%get3A_208, %get3A_209, %get3A_210] {strides = array<i32>} : memref<2x128x128xf32, #tpu.memory_space<vmem>>, vector<16xf32>,
        %mul3A_212 = arith.mulf %get3A_211, %gather3A_175 : vector<16xf32>
        %swap3A_213 = arith.constant 0 : i32
        %swap3A_214 = arith.index_cast %swap3A_213 : i32 to index
        %swap3A_215 = arith.index_cast %add3A_171 : i32 to index
        %swap3A_216 = arith.constant 48 : index
        %swap3A_217 = tpu.vector_load %arg11[%swap3A_214, %swap3A_215, %swap3A_216] {strides = array<i32>} : memref<2x128x128xf32, #tpu.memory_space<vmem>>, vector<16xf32>,
        tpu.vector_store %arg11[%swap3A_214, %swap3A_215, %swap3A_216], %mul3A_212 {strides = array<i32>} : memref<2x128x128xf32, #tpu.memory_space<vmem>>, vector<16xf32>,
        %get3A_218 = arith.constant 0 : i32
        %get3A_219 = arith.index_cast %get3A_218 : i32 to index
        %get3A_220 = arith.index_cast %add3A_171 : i32 to index
        %get3A_221 = arith.constant 64 : index
        %get3A_222 = tpu.vector_load %arg11[%get3A_219, %get3A_220, %get3A_221] {strides = array<i32>} : memref<2x128x128xf32, #tpu.memory_space<vmem>>, vector<16xf32>,
        %mul3A_223 = arith.mulf %get3A_222, %gather3A_175 : vector<16xf32>
        %swap3A_224 = arith.constant 0 : i32
        %swap3A_225 = arith.index_cast %swap3A_224 : i32 to index
        %swap3A_226 = arith.index_cast %add3A_171 : i32 to index
        %swap3A_227 = arith.constant 64 : index
        %swap3A_228 = tpu.vector_load %arg11[%swap3A_225, %swap3A_226, %swap3A_227] {strides = array<i32>} : memref<2x128x128xf32, #tpu.memory_space<vmem>>, vector<16xf32>,
        tpu.vector_store %arg11[%swap3A_225, %swap3A_226, %swap3A_227], %mul3A_223 {strides = array<i32>} : memref<2x128x128xf32, #tpu.memory_space<vmem>>, vector<16xf32>,
        %get3A_229 = arith.constant 0 : i32
        %get3A_230 = arith.index_cast %get3A_229 : i32 to index
        %get3A_231 = arith.index_cast %add3A_171 : i32 to index
        %get3A_232 = arith.constant 80 : index
        %get3A_233 = tpu.vector_load %arg11[%get3A_230, %get3A_231, %get3A_232] {strides = array<i32>} : memref<2x128x128xf32, #tpu.memory_space<vmem>>, vector<16xf32>,
        %mul3A_234 = arith.mulf %get3A_233, %gather3A_175 : vector<16xf32>
        %swap3A_235 = arith.constant 0 : i32
        %swap3A_236 = arith.index_cast %swap3A_235 : i32 to index
        %swap3A_237 = arith.index_cast %add3A_171 : i32 to index
        %swap3A_238 = arith.constant 80 : index
        %swap3A_239 = tpu.vector_load %arg11[%swap3A_236, %swap3A_237, %swap3A_238] {strides = array<i32>} : memref<2x128x128xf32, #tpu.memory_space<vmem>>, vector<16xf32>,
        tpu.vector_store %arg11[%swap3A_236, %swap3A_237, %swap3A_238], %mul3A_234 {strides = array<i32>} : memref<2x128x128xf32, #tpu.memory_space<vmem>>, vector<16xf32>,
        %get3A_240 = arith.constant 0 : i32
        %get3A_241 = arith.index_cast %get3A_240 : i32 to index
        %get3A_242 = arith.index_cast %add3A_171 : i32 to index
        %get3A_243 = arith.constant 96 : index
        %get3A_244 = tpu.vector_load %arg11[%get3A_241, %get3A_242, %get3A_243] {strides = array<i32>} : memref<2x128x128xf32, #tpu.memory_space<vmem>>, vector<16xf32>,
        %mul3A_245 = arith.mulf %get3A_244, %gather3A_175 : vector<16xf32>
        %swap3A_246 = arith.constant 0 : i32
        %swap3A_247 = arith.index_cast %swap3A_246 : i32 to index
        %swap3A_248 = arith.index_cast %add3A_171 : i32 to index
        %swap3A_249 = arith.constant 96 : index
        %swap3A_250 = tpu.vector_load %arg11[%swap3A_247, %swap3A_248, %swap3A_249] {strides = array<i32>} : memref<2x128x128xf32, #tpu.memory_space<vmem>>, vector<16xf32>,
        tpu.vector_store %arg11[%swap3A_247, %swap3A_248, %swap3A_249], %mul3A_245 {strides = array<i32>} : memref<2x128x128xf32, #tpu.memory_space<vmem>>, vector<16xf32>,
        %get3A_251 = arith.constant 0 : i32
        %get3A_252 = arith.index_cast %get3A_251 : i32 to index
        %get3A_253 = arith.index_cast %add3A_171 : i32 to index
        %get3A_254 = arith.constant 112 : index
        %get3A_255 = tpu.vector_load %arg11[%get3A_252, %get3A_253, %get3A_254] {strides = array<i32>} : memref<2x128x128xf32, #tpu.memory_space<vmem>>, vector<16xf32>,
        %mul3A_256 = arith.mulf %get3A_255, %gather3A_175 : vector<16xf32>
        %swap3A_257 = arith.constant 0 : i32
        %swap3A_258 = arith.index_cast %swap3A_257 : i32 to index
        %swap3A_259 = arith.index_cast %add3A_171 : i32 to index
        %swap3A_260 = arith.constant 112 : index
        %swap3A_261 = tpu.vector_load %arg11[%swap3A_258, %swap3A_259, %swap3A_260] {strides = array<i32>} : memref<2x128x128xf32, #tpu.memory_space<vmem>>, vector<16xf32>,
        tpu.vector_store %arg11[%swap3A_258, %swap3A_259, %swap3A_260], %mul3A_256 {strides = array<i32>} : memref<2x128x128xf32, #tpu.memory_space<vmem>>, vector<16xf32>,
      }
      %scan3A_109 = arith.constant 128 : i32
      %dma_start3A_110 = arith.constant 0 : i32
      %dma_start3A_111 = arith.constant 0 : i32
      %dma_start3A_112 = arith.constant 0 : i32
      %dma_start3A_113 = arith.constant 0 : i32
      %dma_start3A_114 = arith.constant 0 : i32
      %dma_start3A_115 = tpu.memref_slice %arg11[%dma_start3A_110, %dma_start3A_113, %dma_start3A_114] : memref<2x128x128xf32, #tpu.memory_space<vmem>> -> memref<1x128x128xf32, #tpu.memory_space<vmem>>
      %dma_start3A_116 = tpu.memref_squeeze %dma_start3A_115 : memref<1x128x128xf32, #tpu.memory_space<vmem>> -> memref<128x128xf32, #tpu.memory_space<vmem>>
      %dma_start3A_117 = arith.constant 0 : i32
      %dma_start3A_118 = tpu.memref_slice %arg10[%dma_start3A_111, %dma_start3A_117] : memref<2x128xi32, #tpu.memory_space<vmem>> -> memref<1x128xi32, #tpu.memory_space<vmem>>
      %dma_start3A_119 = tpu.memref_squeeze %dma_start3A_118 : memref<1x128xi32, #tpu.memory_space<vmem>> -> memref<128xi32, #tpu.memory_space<vmem>>
      %dma_start3A_120 = arith.constant 0 : i32
      %dma_start3A_121 = arith.constant 0 : i32
      %dma_start3A_122 = tpu.memref_slice %arg8[%dma_start3A_120, %dma_start3A_121] : memref<10112x128xf32, #tpu.memory_space<vmem_shared>> -> memref<10112x128xf32, #tpu.memory_space<vmem_shared>>
      %dma_start3A_123 = tpu.memref_slice %arg14[%dma_start3A_112] : memref<2x!tpu.dma_semaphore, #tpu.memory_space<semaphore_mem>> -> memref<1x!tpu.dma_semaphore, #tpu.memory_space<semaphore_mem>>
      %dma_start3A_124 = tpu.memref_squeeze %dma_start3A_123 : memref<1x!tpu.dma_semaphore, #tpu.memory_space<semaphore_mem>> -> memref<!tpu.dma_semaphore, #tpu.memory_space<semaphore_mem>>
      tpu.enqueue_indirect_dma source(%dma_start3A_116 : memref<128x128xf32, #tpu.memory_space<vmem>>) target(%dma_start3A_122 : memref<10112x128xf32, #tpu.memory_space<vmem_shared>>) offsets(%dma_start3A_119 : memref<128xi32, #tpu.memory_space<vmem>>) semaphore(%dma_start3A_124 : memref<!tpu.dma_semaphore, #tpu.memory_space<semaphore_mem>>) {add = true}
      %lt3A = arith.constant 39 : i32
      %lt3A_125 = arith.cmpi slt, %add3A_87, %lt3A : i32
      %convert_element_type3A = arith.extui %lt3A_125 : i1 to i32
      %cond3A = arith.constant 0 : i32
      %cond3A_126 = arith.cmpi ne, %convert_element_type3A, %cond3A : i32
      scf.if %cond3A_126 {
        %dma_wait3A_167 = arith.constant 0 : i32
        %dma_wait3A_168 = arith.constant 0 : i32
        %dma_wait3A_169 = arith.constant 0 : i32
        %dma_wait3A_170 = arith.constant 0 : i32
        %dma_wait3A_171 = arith.constant 0 : i32
        %dma_wait3A_172 = tpu.memref_slice %arg11[%dma_wait3A_167, %dma_wait3A_170, %dma_wait3A_171] : memref<2x128x128xf32, #tpu.memory_space<vmem>> -> memref<1x128x128xf32, #tpu.memory_space<vmem>>
        %dma_wait3A_173 = tpu.memref_squeeze %dma_wait3A_172 : memref<1x128x128xf32, #tpu.memory_space<vmem>> -> memref<128x128xf32, #tpu.memory_space<vmem>>
        %dma_wait3A_174 = arith.constant 0 : i32
        %dma_wait3A_175 = tpu.memref_slice %arg10[%dma_wait3A_168, %dma_wait3A_174] : memref<2x128xi32, #tpu.memory_space<vmem>> -> memref<1x128xi32, #tpu.memory_space<vmem>>
        %dma_wait3A_176 = tpu.memref_squeeze %dma_wait3A_175 : memref<1x128xi32, #tpu.memory_space<vmem>> -> memref<128xi32, #tpu.memory_space<vmem>>
        %dma_wait3A_177 = arith.constant 0 : i32
        %dma_wait3A_178 = arith.constant 0 : i32
        %dma_wait3A_179 = tpu.memref_slice %arg8[%dma_wait3A_177, %dma_wait3A_178] : memref<10112x128xf32, #tpu.memory_space<vmem_shared>> -> memref<10112x128xf32, #tpu.memory_space<vmem_shared>>
        %dma_wait3A_180 = tpu.memref_slice %arg14[%dma_wait3A_169] : memref<2x!tpu.dma_semaphore, #tpu.memory_space<semaphore_mem>> -> memref<1x!tpu.dma_semaphore, #tpu.memory_space<semaphore_mem>>
        %dma_wait3A_181 = tpu.memref_squeeze %dma_wait3A_180 : memref<1x!tpu.dma_semaphore, #tpu.memory_space<semaphore_mem>> -> memref<!tpu.dma_semaphore, #tpu.memory_space<semaphore_mem>>
        tpu.wait_indirect_dma semaphore(%dma_wait3A_181 : memref<!tpu.dma_semaphore, #tpu.memory_space<semaphore_mem>>) src(%dma_wait3A_173 : memref<128x128xf32, #tpu.memory_space<vmem>>) dst(%dma_wait3A_179 : memref<10112x128xf32, #tpu.memory_space<vmem_shared>>)
        %add3A_182 = arith.constant 2 : i32
        %add3A_183 = arith.addi %mul3A_89, %add3A_182 : i32
        %mul3A_184 = arith.constant 128 : i32
        %mul3A_185 = arith.muli %add3A_183, %mul3A_184 : i32
        %add3A_186 = arith.addi %mul3A_6, %mul3A_185 : i32
        %run_scoped3A_187 = arith.constant 0 : i32
        "tpu.region"() ({
          %run_scoped3A_205 = tpu.sem_alloc : memref<!tpu.dma_semaphore, #tpu.memory_space<semaphore_mem>>
          %dma_start3A_206 = arith.constant 0 : i32
          %dma_start3A_207 = tpu.memref_slice %arg9[%run_scoped3A_187, %dma_start3A_206] : memref<2x128xi32, #tpu.memory_space<vmem>> -> memref<1x128xi32, #tpu.memory_space<vmem>>
          %dma_start3A_208 = tpu.memref_squeeze %dma_start3A_207 : memref<1x128xi32, #tpu.memory_space<vmem>> -> memref<128xi32, #tpu.memory_space<vmem>>
          %dma_start3A_209 = tpu.memref_slice %arg4[%add3A_186] : memref<327680xi32, #tpu.memory_space<hbm>> -> memref<128xi32, #tpu.memory_space<hbm>>
          %dma_start3A_210 = arith.constant 0 : i32
          %dma_start3A_211 = tpu.memref_slice %arg9[%run_scoped3A_187, %dma_start3A_210] : memref<2x128xi32, #tpu.memory_space<vmem>> -> memref<1x128xi32, #tpu.memory_space<vmem>>
          %dma_start3A_212 = tpu.memref_squeeze %dma_start3A_211 : memref<1x128xi32, #tpu.memory_space<vmem>> -> memref<128xi32, #tpu.memory_space<vmem>>
          %dma_start3A_213 = tpu.memref_slice %arg4[%add3A_186] : memref<327680xi32, #tpu.memory_space<hbm>> -> memref<128xi32, #tpu.memory_space<hbm>>
          tpu.enqueue_dma source(%dma_start3A_213 : memref<128xi32, #tpu.memory_space<hbm>>) target(%dma_start3A_212 : memref<128xi32, #tpu.memory_space<vmem>>) target_semaphore(%run_scoped3A_205 : memref<!tpu.dma_semaphore, #tpu.memory_space<semaphore_mem>>)
          %dma_wait3A_214 = arith.constant 0 : i32
          %dma_wait3A_215 = tpu.memref_slice %arg9[%run_scoped3A_187, %dma_wait3A_214] : memref<2x128xi32, #tpu.memory_space<vmem>> -> memref<1x128xi32, #tpu.memory_space<vmem>>
          %dma_wait3A_216 = tpu.memref_squeeze %dma_wait3A_215 : memref<1x128xi32, #tpu.memory_space<vmem>> -> memref<128xi32, #tpu.memory_space<vmem>>
          %dma_wait3A_217 = tpu.memref_slice %arg4[%add3A_186] : memref<327680xi32, #tpu.memory_space<hbm>> -> memref<128xi32, #tpu.memory_space<hbm>>
          %dma_wait3A_218 = arith.constant 0 : i32
          %dma_wait3A_219 = tpu.memref_slice %arg9[%run_scoped3A_187, %dma_wait3A_218] : memref<2x128xi32, #tpu.memory_space<vmem>> -> memref<1x128xi32, #tpu.memory_space<vmem>>
          %dma_wait3A_220 = tpu.memref_squeeze %dma_wait3A_219 : memref<1x128xi32, #tpu.memory_space<vmem>> -> memref<128xi32, #tpu.memory_space<vmem>>
          %dma_wait3A_221 = tpu.memref_slice %arg4[%add3A_186] : memref<327680xi32, #tpu.memory_space<hbm>> -> memref<128xi32, #tpu.memory_space<hbm>>
          tpu.wait_dma2 semaphore(%run_scoped3A_205 : memref<!tpu.dma_semaphore, #tpu.memory_space<semaphore_mem>>) src(%dma_wait3A_221 : memref<128xi32, #tpu.memory_space<hbm>>) dst(%dma_wait3A_220 : memref<128xi32, #tpu.memory_space<vmem>>)
          tpu.yield
        }) : () -> ()
        %run_scoped3A_188 = arith.constant 0 : i32
        "tpu.region"() ({
          %run_scoped3A_205 = tpu.sem_alloc : memref<!tpu.dma_semaphore, #tpu.memory_space<semaphore_mem>>
          %dma_start3A_206 = arith.constant 0 : i32
          %dma_start3A_207 = tpu.memref_slice %arg10[%run_scoped3A_188, %dma_start3A_206] : memref<2x128xi32, #tpu.memory_space<vmem>> -> memref<1x128xi32, #tpu.memory_space<vmem>>
          %dma_start3A_208 = tpu.memref_squeeze %dma_start3A_207 : memref<1x128xi32, #tpu.memory_space<vmem>> -> memref<128xi32, #tpu.memory_space<vmem>>
          %dma_start3A_209 = tpu.memref_slice %arg3[%add3A_186] : memref<327680xi32, #tpu.memory_space<hbm>> -> memref<128xi32, #tpu.memory_space<hbm>>
          %dma_start3A_210 = arith.constant 0 : i32
          %dma_start3A_211 = tpu.memref_slice %arg10[%run_scoped3A_188, %dma_start3A_210] : memref<2x128xi32, #tpu.memory_space<vmem>> -> memref<1x128xi32, #tpu.memory_space<vmem>>
          %dma_start3A_212 = tpu.memref_squeeze %dma_start3A_211 : memref<1x128xi32, #tpu.memory_space<vmem>> -> memref<128xi32, #tpu.memory_space<vmem>>
          %dma_start3A_213 = tpu.memref_slice %arg3[%add3A_186] : memref<327680xi32, #tpu.memory_space<hbm>> -> memref<128xi32, #tpu.memory_space<hbm>>
          tpu.enqueue_dma source(%dma_start3A_213 : memref<128xi32, #tpu.memory_space<hbm>>) target(%dma_start3A_212 : memref<128xi32, #tpu.memory_space<vmem>>) target_semaphore(%run_scoped3A_205 : memref<!tpu.dma_semaphore, #tpu.memory_space<semaphore_mem>>)
          %dma_wait3A_214 = arith.constant 0 : i32
          %dma_wait3A_215 = tpu.memref_slice %arg10[%run_scoped3A_188, %dma_wait3A_214] : memref<2x128xi32, #tpu.memory_space<vmem>> -> memref<1x128xi32, #tpu.memory_space<vmem>>
          %dma_wait3A_216 = tpu.memref_squeeze %dma_wait3A_215 : memref<1x128xi32, #tpu.memory_space<vmem>> -> memref<128xi32, #tpu.memory_space<vmem>>
          %dma_wait3A_217 = tpu.memref_slice %arg3[%add3A_186] : memref<327680xi32, #tpu.memory_space<hbm>> -> memref<128xi32, #tpu.memory_space<hbm>>
          %dma_wait3A_218 = arith.constant 0 : i32
          %dma_wait3A_219 = tpu.memref_slice %arg10[%run_scoped3A_188, %dma_wait3A_218] : memref<2x128xi32, #tpu.memory_space<vmem>> -> memref<1x128xi32, #tpu.memory_space<vmem>>
          %dma_wait3A_220 = tpu.memref_squeeze %dma_wait3A_219 : memref<1x128xi32, #tpu.memory_space<vmem>> -> memref<128xi32, #tpu.memory_space<vmem>>
          %dma_wait3A_221 = tpu.memref_slice %arg3[%add3A_186] : memref<327680xi32, #tpu.memory_space<hbm>> -> memref<128xi32, #tpu.memory_space<hbm>>
          tpu.wait_dma2 semaphore(%run_scoped3A_205 : memref<!tpu.dma_semaphore, #tpu.memory_space<semaphore_mem>>) src(%dma_wait3A_221 : memref<128xi32, #tpu.memory_space<hbm>>) dst(%dma_wait3A_220 : memref<128xi32, #tpu.memory_space<vmem>>)
          tpu.yield
        }) : () -> ()
        %run_scoped3A_189 = arith.constant 0 : i32
        "tpu.region"() ({
          %run_scoped3A_205 = tpu.sem_alloc : memref<!tpu.dma_semaphore, #tpu.memory_space<semaphore_mem>>
          %dma_start3A_206 = arith.constant 0 : i32
          %dma_start3A_207 = tpu.memref_slice %arg12[%run_scoped3A_189, %dma_start3A_206] : memref<2x128xf32, #tpu.memory_space<vmem>> -> memref<1x128xf32, #tpu.memory_space<vmem>>
          %dma_start3A_208 = tpu.memref_squeeze %dma_start3A_207 : memref<1x128xf32, #tpu.memory_space<vmem>> -> memref<128xf32, #tpu.memory_space<vmem>>
          %dma_start3A_209 = tpu.memref_slice %arg5[%add3A_186] : memref<327680xf32, #tpu.memory_space<hbm>> -> memref<128xf32, #tpu.memory_space<hbm>>
          %dma_start3A_210 = arith.constant 0 : i32
          %dma_start3A_211 = tpu.memref_slice %arg12[%run_scoped3A_189, %dma_start3A_210] : memref<2x128xf32, #tpu.memory_space<vmem>> -> memref<1x128xf32, #tpu.memory_space<vmem>>
          %dma_start3A_212 = tpu.memref_squeeze %dma_start3A_211 : memref<1x128xf32, #tpu.memory_space<vmem>> -> memref<128xf32, #tpu.memory_space<vmem>>
          %dma_start3A_213 = tpu.memref_slice %arg5[%add3A_186] : memref<327680xf32, #tpu.memory_space<hbm>> -> memref<128xf32, #tpu.memory_space<hbm>>
          tpu.enqueue_dma source(%dma_start3A_213 : memref<128xf32, #tpu.memory_space<hbm>>) target(%dma_start3A_212 : memref<128xf32, #tpu.memory_space<vmem>>) target_semaphore(%run_scoped3A_205 : memref<!tpu.dma_semaphore, #tpu.memory_space<semaphore_mem>>)
          %dma_wait3A_214 = arith.constant 0 : i32
          %dma_wait3A_215 = tpu.memref_slice %arg12[%run_scoped3A_189, %dma_wait3A_214] : memref<2x128xf32, #tpu.memory_space<vmem>> -> memref<1x128xf32, #tpu.memory_space<vmem>>
          %dma_wait3A_216 = tpu.memref_squeeze %dma_wait3A_215 : memref<1x128xf32, #tpu.memory_space<vmem>> -> memref<128xf32, #tpu.memory_space<vmem>>
          %dma_wait3A_217 = tpu.memref_slice %arg5[%add3A_186] : memref<327680xf32, #tpu.memory_space<hbm>> -> memref<128xf32, #tpu.memory_space<hbm>>
          %dma_wait3A_218 = arith.constant 0 : i32
          %dma_wait3A_219 = tpu.memref_slice %arg12[%run_scoped3A_189, %dma_wait3A_218] : memref<2x128xf32, #tpu.memory_space<vmem>> -> memref<1x128xf32, #tpu.memory_space<vmem>>
          %dma_wait3A_220 = tpu.memref_squeeze %dma_wait3A_219 : memref<1x128xf32, #tpu.memory_space<vmem>> -> memref<128xf32, #tpu.memory_space<vmem>>
          %dma_wait3A_221 = tpu.memref_slice %arg5[%add3A_186] : memref<327680xf32, #tpu.memory_space<hbm>> -> memref<128xf32, #tpu.memory_space<hbm>>
          tpu.wait_dma2 semaphore(%run_scoped3A_205 : memref<!tpu.dma_semaphore, #tpu.memory_space<semaphore_mem>>) src(%dma_wait3A_221 : memref<128xf32, #tpu.memory_space<hbm>>) dst(%dma_wait3A_220 : memref<128xf32, #tpu.memory_space<vmem>>)
          tpu.yield
        }) : () -> ()
        %dma_start3A_190 = arith.constant 0 : i32
        %dma_start3A_191 = arith.constant 0 : i32
        %dma_start3A_192 = arith.constant 0 : i32
        %dma_start3A_193 = arith.constant 0 : i32
        %dma_start3A_194 = arith.constant 0 : i32
        %dma_start3A_195 = tpu.memref_slice %arg11[%dma_start3A_191, %dma_start3A_193, %dma_start3A_194] : memref<2x128x128xf32, #tpu.memory_space<vmem>> -> memref<1x128x128xf32, #tpu.memory_space<vmem>>
        %dma_start3A_196 = tpu.memref_squeeze %dma_start3A_195 : memref<1x128x128xf32, #tpu.memory_space<vmem>> -> memref<128x128xf32, #tpu.memory_space<vmem>>
        %dma_start3A_197 = arith.constant 0 : i32
        %dma_start3A_198 = tpu.memref_slice %arg9[%dma_start3A_190, %dma_start3A_197] : memref<2x128xi32, #tpu.memory_space<vmem>> -> memref<1x128xi32, #tpu.memory_space<vmem>>
        %dma_start3A_199 = tpu.memref_squeeze %dma_start3A_198 : memref<1x128xi32, #tpu.memory_space<vmem>> -> memref<128xi32, #tpu.memory_space<vmem>>
        %dma_start3A_200 = arith.constant 0 : i32
        %dma_start3A_201 = arith.constant 0 : i32
        %dma_start3A_202 = tpu.memref_slice %arg2[%dma_start3A_200, %dma_start3A_201] : memref<10000x128xf32, #tpu.memory_space<hbm>> -> memref<10000x128xf32, #tpu.memory_space<hbm>>
        %dma_start3A_203 = tpu.memref_slice %arg13[%dma_start3A_192] : memref<2x!tpu.dma_semaphore, #tpu.memory_space<semaphore_mem>> -> memref<1x!tpu.dma_semaphore, #tpu.memory_space<semaphore_mem>>
        %dma_start3A_204 = tpu.memref_squeeze %dma_start3A_203 : memref<1x!tpu.dma_semaphore, #tpu.memory_space<semaphore_mem>> -> memref<!tpu.dma_semaphore, #tpu.memory_space<semaphore_mem>>
        tpu.enqueue_indirect_dma source(%dma_start3A_202 : memref<10000x128xf32, #tpu.memory_space<hbm>>) target(%dma_start3A_196 : memref<128x128xf32, #tpu.memory_space<vmem>>) offsets(%dma_start3A_199 : memref<128xi32, #tpu.memory_space<vmem>>) semaphore(%dma_start3A_204 : memref<!tpu.dma_semaphore, #tpu.memory_space<semaphore_mem>>)
      } else {
      }
      %dma_wait3A_127 = arith.constant 1 : i32
      %dma_wait3A_128 = arith.constant 1 : i32
      %dma_wait3A_129 = arith.constant 1 : i32
      %dma_wait3A_130 = arith.constant 0 : i32
      %dma_wait3A_131 = arith.constant 0 : i32
      %dma_wait3A_132 = tpu.memref_slice %arg11[%dma_wait3A_128, %dma_wait3A_130, %dma_wait3A_131] : memref<2x128x128xf32, #tpu.memory_space<vmem>> -> memref<1x128x128xf32, #tpu.memory_space<vmem>>
      %dma_wait3A_133 = tpu.memref_squeeze %dma_wait3A_132 : memref<1x128x128xf32, #tpu.memory_space<vmem>> -> memref<128x128xf32, #tpu.memory_space<vmem>>
      %dma_wait3A_134 = arith.constant 0 : i32
      %dma_wait3A_135 = tpu.memref_slice %arg9[%dma_wait3A_127, %dma_wait3A_134] : memref<2x128xi32, #tpu.memory_space<vmem>> -> memref<1x128xi32, #tpu.memory_space<vmem>>
      %dma_wait3A_136 = tpu.memref_squeeze %dma_wait3A_135 : memref<1x128xi32, #tpu.memory_space<vmem>> -> memref<128xi32, #tpu.memory_space<vmem>>
      %dma_wait3A_137 = arith.constant 0 : i32
      %dma_wait3A_138 = arith.constant 0 : i32
      %dma_wait3A_139 = tpu.memref_slice %arg2[%dma_wait3A_137, %dma_wait3A_138] : memref<10000x128xf32, #tpu.memory_space<hbm>> -> memref<10000x128xf32, #tpu.memory_space<hbm>>
      %dma_wait3A_140 = tpu.memref_slice %arg13[%dma_wait3A_129] : memref<2x!tpu.dma_semaphore, #tpu.memory_space<semaphore_mem>> -> memref<1x!tpu.dma_semaphore, #tpu.memory_space<semaphore_mem>>
      %dma_wait3A_141 = tpu.memref_squeeze %dma_wait3A_140 : memref<1x!tpu.dma_semaphore, #tpu.memory_space<semaphore_mem>> -> memref<!tpu.dma_semaphore, #tpu.memory_space<semaphore_mem>>
      tpu.wait_indirect_dma semaphore(%dma_wait3A_141 : memref<!tpu.dma_semaphore, #tpu.memory_space<semaphore_mem>>) src(%dma_wait3A_139 : memref<10000x128xf32, #tpu.memory_space<hbm>>) dst(%dma_wait3A_133 : memref<128x128xf32, #tpu.memory_space<vmem>>)
      %scan3A_142 = arith.constant 0 : i32
      %scan3A_143 = arith.constant 128 : i32
      %scan3A_144 = arith.addi %scan3A_142, %scan3A_143 : i32
      %scan3A_145 = arith.constant 1 : i32
      scf.for %scan3A_167 = %scan3A_142 to %scan3A_144 step %scan3A_145  : i32 {
        %mul3A_168 = arith.constant 1 : i32
        %mul3A_169 = arith.muli %scan3A_167, %mul3A_168 : i32
        %add3A_170 = arith.constant 0 : i32
        %add3A_171 = arith.addi %add3A_170, %mul3A_169 : i32
        %broadcast_in_dim3A = vector.broadcast %add3A_171 : i32 to vector<16xi32>
        %gather3A = arith.constant 1 : i32
        %gather3A_172 = arith.constant 0 : i32
        %gather3A_173 = tpu.memref_slice %arg12[%gather3A, %gather3A_172] : memref<2x128xf32, #tpu.memory_space<vmem>> -> memref<1x128xf32, #tpu.memory_space<vmem>>
        %gather3A_174 = tpu.memref_squeeze %gather3A_173 : memref<1x128xf32, #tpu.memory_space<vmem>> -> memref<128xf32, #tpu.memory_space<vmem>>
        %gather3A_175 = tpu.vector_load_idx %gather3A_174[%broadcast_in_dim3A] : memref<128xf32, #tpu.memory_space<vmem>>[vector<16xi32>], vector<16xf32>,
        %get3A = arith.constant 1 : i32
        %get3A_176 = arith.index_cast %get3A : i32 to index
        %get3A_177 = arith.index_cast %add3A_171 : i32 to index
        %get3A_178 = arith.constant 0 : index
        %get3A_179 = tpu.vector_load %arg11[%get3A_176, %get3A_177, %get3A_178] {strides = array<i32>} : memref<2x128x128xf32, #tpu.memory_space<vmem>>, vector<16xf32>,
        %mul3A_180 = arith.mulf %get3A_179, %gather3A_175 : vector<16xf32>
        %swap3A = arith.constant 1 : i32
        %swap3A_181 = arith.index_cast %swap3A : i32 to index
        %swap3A_182 = arith.index_cast %add3A_171 : i32 to index
        %swap3A_183 = arith.constant 0 : index
        %swap3A_184 = tpu.vector_load %arg11[%swap3A_181, %swap3A_182, %swap3A_183] {strides = array<i32>} : memref<2x128x128xf32, #tpu.memory_space<vmem>>, vector<16xf32>,
        tpu.vector_store %arg11[%swap3A_181, %swap3A_182, %swap3A_183], %mul3A_180 {strides = array<i32>} : memref<2x128x128xf32, #tpu.memory_space<vmem>>, vector<16xf32>,
        %get3A_185 = arith.constant 1 : i32
        %get3A_186 = arith.index_cast %get3A_185 : i32 to index
        %get3A_187 = arith.index_cast %add3A_171 : i32 to index
        %get3A_188 = arith.constant 16 : index
        %get3A_189 = tpu.vector_load %arg11[%get3A_186, %get3A_187, %get3A_188] {strides = array<i32>} : memref<2x128x128xf32, #tpu.memory_space<vmem>>, vector<16xf32>,
        %mul3A_190 = arith.mulf %get3A_189, %gather3A_175 : vector<16xf32>
        %swap3A_191 = arith.constant 1 : i32
        %swap3A_192 = arith.index_cast %swap3A_191 : i32 to index
        %swap3A_193 = arith.index_cast %add3A_171 : i32 to index
        %swap3A_194 = arith.constant 16 : index
        %swap3A_195 = tpu.vector_load %arg11[%swap3A_192, %swap3A_193, %swap3A_194] {strides = array<i32>} : memref<2x128x128xf32, #tpu.memory_space<vmem>>, vector<16xf32>,
        tpu.vector_store %arg11[%swap3A_192, %swap3A_193, %swap3A_194], %mul3A_190 {strides = array<i32>} : memref<2x128x128xf32, #tpu.memory_space<vmem>>, vector<16xf32>,
        %get3A_196 = arith.constant 1 : i32
        %get3A_197 = arith.index_cast %get3A_196 : i32 to index
        %get3A_198 = arith.index_cast %add3A_171 : i32 to index
        %get3A_199 = arith.constant 32 : index
        %get3A_200 = tpu.vector_load %arg11[%get3A_197, %get3A_198, %get3A_199] {strides = array<i32>} : memref<2x128x128xf32, #tpu.memory_space<vmem>>, vector<16xf32>,
        %mul3A_201 = arith.mulf %get3A_200, %gather3A_175 : vector<16xf32>
        %swap3A_202 = arith.constant 1 : i32
        %swap3A_203 = arith.index_cast %swap3A_202 : i32 to index
        %swap3A_204 = arith.index_cast %add3A_171 : i32 to index
        %swap3A_205 = arith.constant 32 : index
        %swap3A_206 = tpu.vector_load %arg11[%swap3A_203, %swap3A_204, %swap3A_205] {strides = array<i32>} : memref<2x128x128xf32, #tpu.memory_space<vmem>>, vector<16xf32>,
        tpu.vector_store %arg11[%swap3A_203, %swap3A_204, %swap3A_205], %mul3A_201 {strides = array<i32>} : memref<2x128x128xf32, #tpu.memory_space<vmem>>, vector<16xf32>,
        %get3A_207 = arith.constant 1 : i32
        %get3A_208 = arith.index_cast %get3A_207 : i32 to index
        %get3A_209 = arith.index_cast %add3A_171 : i32 to index
        %get3A_210 = arith.constant 48 : index
        %get3A_211 = tpu.vector_load %arg11[%get3A_208, %get3A_209, %get3A_210] {strides = array<i32>} : memref<2x128x128xf32, #tpu.memory_space<vmem>>, vector<16xf32>,
        %mul3A_212 = arith.mulf %get3A_211, %gather3A_175 : vector<16xf32>
        %swap3A_213 = arith.constant 1 : i32
        %swap3A_214 = arith.index_cast %swap3A_213 : i32 to index
        %swap3A_215 = arith.index_cast %add3A_171 : i32 to index
        %swap3A_216 = arith.constant 48 : index
        %swap3A_217 = tpu.vector_load %arg11[%swap3A_214, %swap3A_215, %swap3A_216] {strides = array<i32>} : memref<2x128x128xf32, #tpu.memory_space<vmem>>, vector<16xf32>,
        tpu.vector_store %arg11[%swap3A_214, %swap3A_215, %swap3A_216], %mul3A_212 {strides = array<i32>} : memref<2x128x128xf32, #tpu.memory_space<vmem>>, vector<16xf32>,
        %get3A_218 = arith.constant 1 : i32
        %get3A_219 = arith.index_cast %get3A_218 : i32 to index
        %get3A_220 = arith.index_cast %add3A_171 : i32 to index
        %get3A_221 = arith.constant 64 : index
        %get3A_222 = tpu.vector_load %arg11[%get3A_219, %get3A_220, %get3A_221] {strides = array<i32>} : memref<2x128x128xf32, #tpu.memory_space<vmem>>, vector<16xf32>,
        %mul3A_223 = arith.mulf %get3A_222, %gather3A_175 : vector<16xf32>
        %swap3A_224 = arith.constant 1 : i32
        %swap3A_225 = arith.index_cast %swap3A_224 : i32 to index
        %swap3A_226 = arith.index_cast %add3A_171 : i32 to index
        %swap3A_227 = arith.constant 64 : index
        %swap3A_228 = tpu.vector_load %arg11[%swap3A_225, %swap3A_226, %swap3A_227] {strides = array<i32>} : memref<2x128x128xf32, #tpu.memory_space<vmem>>, vector<16xf32>,
        tpu.vector_store %arg11[%swap3A_225, %swap3A_226, %swap3A_227], %mul3A_223 {strides = array<i32>} : memref<2x128x128xf32, #tpu.memory_space<vmem>>, vector<16xf32>,
        %get3A_229 = arith.constant 1 : i32
        %get3A_230 = arith.index_cast %get3A_229 : i32 to index
        %get3A_231 = arith.index_cast %add3A_171 : i32 to index
        %get3A_232 = arith.constant 80 : index
        %get3A_233 = tpu.vector_load %arg11[%get3A_230, %get3A_231, %get3A_232] {strides = array<i32>} : memref<2x128x128xf32, #tpu.memory_space<vmem>>, vector<16xf32>,
        %mul3A_234 = arith.mulf %get3A_233, %gather3A_175 : vector<16xf32>
        %swap3A_235 = arith.constant 1 : i32
        %swap3A_236 = arith.index_cast %swap3A_235 : i32 to index
        %swap3A_237 = arith.index_cast %add3A_171 : i32 to index
        %swap3A_238 = arith.constant 80 : index
        %swap3A_239 = tpu.vector_load %arg11[%swap3A_236, %swap3A_237, %swap3A_238] {strides = array<i32>} : memref<2x128x128xf32, #tpu.memory_space<vmem>>, vector<16xf32>,
        tpu.vector_store %arg11[%swap3A_236, %swap3A_237, %swap3A_238], %mul3A_234 {strides = array<i32>} : memref<2x128x128xf32, #tpu.memory_space<vmem>>, vector<16xf32>,
        %get3A_240 = arith.constant 1 : i32
        %get3A_241 = arith.index_cast %get3A_240 : i32 to index
        %get3A_242 = arith.index_cast %add3A_171 : i32 to index
        %get3A_243 = arith.constant 96 : index
        %get3A_244 = tpu.vector_load %arg11[%get3A_241, %get3A_242, %get3A_243] {strides = array<i32>} : memref<2x128x128xf32, #tpu.memory_space<vmem>>, vector<16xf32>,
        %mul3A_245 = arith.mulf %get3A_244, %gather3A_175 : vector<16xf32>
        %swap3A_246 = arith.constant 1 : i32
        %swap3A_247 = arith.index_cast %swap3A_246 : i32 to index
        %swap3A_248 = arith.index_cast %add3A_171 : i32 to index
        %swap3A_249 = arith.constant 96 : index
        %swap3A_250 = tpu.vector_load %arg11[%swap3A_247, %swap3A_248, %swap3A_249] {strides = array<i32>} : memref<2x128x128xf32, #tpu.memory_space<vmem>>, vector<16xf32>,
        tpu.vector_store %arg11[%swap3A_247, %swap3A_248, %swap3A_249], %mul3A_245 {strides = array<i32>} : memref<2x128x128xf32, #tpu.memory_space<vmem>>, vector<16xf32>,
        %get3A_251 = arith.constant 1 : i32
        %get3A_252 = arith.index_cast %get3A_251 : i32 to index
        %get3A_253 = arith.index_cast %add3A_171 : i32 to index
        %get3A_254 = arith.constant 112 : index
        %get3A_255 = tpu.vector_load %arg11[%get3A_252, %get3A_253, %get3A_254] {strides = array<i32>} : memref<2x128x128xf32, #tpu.memory_space<vmem>>, vector<16xf32>,
        %mul3A_256 = arith.mulf %get3A_255, %gather3A_175 : vector<16xf32>
        %swap3A_257 = arith.constant 1 : i32
        %swap3A_258 = arith.index_cast %swap3A_257 : i32 to index
        %swap3A_259 = arith.index_cast %add3A_171 : i32 to index
        %swap3A_260 = arith.constant 112 : index
        %swap3A_261 = tpu.vector_load %arg11[%swap3A_258, %swap3A_259, %swap3A_260] {strides = array<i32>} : memref<2x128x128xf32, #tpu.memory_space<vmem>>, vector<16xf32>,
        tpu.vector_store %arg11[%swap3A_258, %swap3A_259, %swap3A_260], %mul3A_256 {strides = array<i32>} : memref<2x128x128xf32, #tpu.memory_space<vmem>>, vector<16xf32>,
      }
      %scan3A_146 = arith.constant 128 : i32
      %dma_start3A_147 = arith.constant 1 : i32
      %dma_start3A_148 = arith.constant 1 : i32
      %dma_start3A_149 = arith.constant 1 : i32
      %dma_start3A_150 = arith.constant 0 : i32
      %dma_start3A_151 = arith.constant 0 : i32
      %dma_start3A_152 = tpu.memref_slice %arg11[%dma_start3A_147, %dma_start3A_150, %dma_start3A_151] : memref<2x128x128xf32, #tpu.memory_space<vmem>> -> memref<1x128x128xf32, #tpu.memory_space<vmem>>
      %dma_start3A_153 = tpu.memref_squeeze %dma_start3A_152 : memref<1x128x128xf32, #tpu.memory_space<vmem>> -> memref<128x128xf32, #tpu.memory_space<vmem>>
      %dma_start3A_154 = arith.constant 0 : i32
      %dma_start3A_155 = tpu.memref_slice %arg10[%dma_start3A_148, %dma_start3A_154] : memref<2x128xi32, #tpu.memory_space<vmem>> -> memref<1x128xi32, #tpu.memory_space<vmem>>
      %dma_start3A_156 = tpu.memref_squeeze %dma_start3A_155 : memref<1x128xi32, #tpu.memory_space<vmem>> -> memref<128xi32, #tpu.memory_space<vmem>>
      %dma_start3A_157 = arith.constant 0 : i32
      %dma_start3A_158 = arith.constant 0 : i32
      %dma_start3A_159 = tpu.memref_slice %arg8[%dma_start3A_157, %dma_start3A_158] : memref<10112x128xf32, #tpu.memory_space<vmem_shared>> -> memref<10112x128xf32, #tpu.memory_space<vmem_shared>>
      %dma_start3A_160 = tpu.memref_slice %arg14[%dma_start3A_149] : memref<2x!tpu.dma_semaphore, #tpu.memory_space<semaphore_mem>> -> memref<1x!tpu.dma_semaphore, #tpu.memory_space<semaphore_mem>>
      %dma_start3A_161 = tpu.memref_squeeze %dma_start3A_160 : memref<1x!tpu.dma_semaphore, #tpu.memory_space<semaphore_mem>> -> memref<!tpu.dma_semaphore, #tpu.memory_space<semaphore_mem>>
      tpu.enqueue_indirect_dma source(%dma_start3A_153 : memref<128x128xf32, #tpu.memory_space<vmem>>) target(%dma_start3A_159 : memref<10112x128xf32, #tpu.memory_space<vmem_shared>>) offsets(%dma_start3A_156 : memref<128xi32, #tpu.memory_space<vmem>>) semaphore(%dma_start3A_161 : memref<!tpu.dma_semaphore, #tpu.memory_space<semaphore_mem>>) {add = true}
      %lt3A_162 = arith.constant 39 : i32
      %lt3A_163 = arith.cmpi slt, %add3A_87, %lt3A_162 : i32
      %convert_element_type3A_164 = arith.extui %lt3A_163 : i1 to i32
      %cond3A_165 = arith.constant 0 : i32
      %cond3A_166 = arith.cmpi ne, %convert_element_type3A_164, %cond3A_165 : i32
      scf.if %cond3A_166 {
        %dma_wait3A_167 = arith.constant 1 : i32
        %dma_wait3A_168 = arith.constant 1 : i32
        %dma_wait3A_169 = arith.constant 1 : i32
        %dma_wait3A_170 = arith.constant 0 : i32
        %dma_wait3A_171 = arith.constant 0 : i32
        %dma_wait3A_172 = tpu.memref_slice %arg11[%dma_wait3A_167, %dma_wait3A_170, %dma_wait3A_171] : memref<2x128x128xf32, #tpu.memory_space<vmem>> -> memref<1x128x128xf32, #tpu.memory_space<vmem>>
        %dma_wait3A_173 = tpu.memref_squeeze %dma_wait3A_172 : memref<1x128x128xf32, #tpu.memory_space<vmem>> -> memref<128x128xf32, #tpu.memory_space<vmem>>
        %dma_wait3A_174 = arith.constant 0 : i32
        %dma_wait3A_175 = tpu.memref_slice %arg10[%dma_wait3A_168, %dma_wait3A_174] : memref<2x128xi32, #tpu.memory_space<vmem>> -> memref<1x128xi32, #tpu.memory_space<vmem>>
        %dma_wait3A_176 = tpu.memref_squeeze %dma_wait3A_175 : memref<1x128xi32, #tpu.memory_space<vmem>> -> memref<128xi32, #tpu.memory_space<vmem>>
        %dma_wait3A_177 = arith.constant 0 : i32
        %dma_wait3A_178 = arith.constant 0 : i32
        %dma_wait3A_179 = tpu.memref_slice %arg8[%dma_wait3A_177, %dma_wait3A_178] : memref<10112x128xf32, #tpu.memory_space<vmem_shared>> -> memref<10112x128xf32, #tpu.memory_space<vmem_shared>>
        %dma_wait3A_180 = tpu.memref_slice %arg14[%dma_wait3A_169] : memref<2x!tpu.dma_semaphore, #tpu.memory_space<semaphore_mem>> -> memref<1x!tpu.dma_semaphore, #tpu.memory_space<semaphore_mem>>
        %dma_wait3A_181 = tpu.memref_squeeze %dma_wait3A_180 : memref<1x!tpu.dma_semaphore, #tpu.memory_space<semaphore_mem>> -> memref<!tpu.dma_semaphore, #tpu.memory_space<semaphore_mem>>
        tpu.wait_indirect_dma semaphore(%dma_wait3A_181 : memref<!tpu.dma_semaphore, #tpu.memory_space<semaphore_mem>>) src(%dma_wait3A_173 : memref<128x128xf32, #tpu.memory_space<vmem>>) dst(%dma_wait3A_179 : memref<10112x128xf32, #tpu.memory_space<vmem_shared>>)
        %add3A_182 = arith.constant 3 : i32
        %add3A_183 = arith.addi %mul3A_89, %add3A_182 : i32
        %mul3A_184 = arith.constant 128 : i32
        %mul3A_185 = arith.muli %add3A_183, %mul3A_184 : i32
        %add3A_186 = arith.addi %mul3A_6, %mul3A_185 : i32
        %run_scoped3A_187 = arith.constant 1 : i32
        "tpu.region"() ({
          %run_scoped3A_205 = tpu.sem_alloc : memref<!tpu.dma_semaphore, #tpu.memory_space<semaphore_mem>>
          %dma_start3A_206 = arith.constant 0 : i32
          %dma_start3A_207 = tpu.memref_slice %arg9[%run_scoped3A_187, %dma_start3A_206] : memref<2x128xi32, #tpu.memory_space<vmem>> -> memref<1x128xi32, #tpu.memory_space<vmem>>
          %dma_start3A_208 = tpu.memref_squeeze %dma_start3A_207 : memref<1x128xi32, #tpu.memory_space<vmem>> -> memref<128xi32, #tpu.memory_space<vmem>>
          %dma_start3A_209 = tpu.memref_slice %arg4[%add3A_186] : memref<327680xi32, #tpu.memory_space<hbm>> -> memref<128xi32, #tpu.memory_space<hbm>>
          %dma_start3A_210 = arith.constant 0 : i32
          %dma_start3A_211 = tpu.memref_slice %arg9[%run_scoped3A_187, %dma_start3A_210] : memref<2x128xi32, #tpu.memory_space<vmem>> -> memref<1x128xi32, #tpu.memory_space<vmem>>
          %dma_start3A_212 = tpu.memref_squeeze %dma_start3A_211 : memref<1x128xi32, #tpu.memory_space<vmem>> -> memref<128xi32, #tpu.memory_space<vmem>>
          %dma_start3A_213 = tpu.memref_slice %arg4[%add3A_186] : memref<327680xi32, #tpu.memory_space<hbm>> -> memref<128xi32, #tpu.memory_space<hbm>>
          tpu.enqueue_dma source(%dma_start3A_213 : memref<128xi32, #tpu.memory_space<hbm>>) target(%dma_start3A_212 : memref<128xi32, #tpu.memory_space<vmem>>) target_semaphore(%run_scoped3A_205 : memref<!tpu.dma_semaphore, #tpu.memory_space<semaphore_mem>>)
          %dma_wait3A_214 = arith.constant 0 : i32
          %dma_wait3A_215 = tpu.memref_slice %arg9[%run_scoped3A_187, %dma_wait3A_214] : memref<2x128xi32, #tpu.memory_space<vmem>> -> memref<1x128xi32, #tpu.memory_space<vmem>>
          %dma_wait3A_216 = tpu.memref_squeeze %dma_wait3A_215 : memref<1x128xi32, #tpu.memory_space<vmem>> -> memref<128xi32, #tpu.memory_space<vmem>>
          %dma_wait3A_217 = tpu.memref_slice %arg4[%add3A_186] : memref<327680xi32, #tpu.memory_space<hbm>> -> memref<128xi32, #tpu.memory_space<hbm>>
          %dma_wait3A_218 = arith.constant 0 : i32
          %dma_wait3A_219 = tpu.memref_slice %arg9[%run_scoped3A_187, %dma_wait3A_218] : memref<2x128xi32, #tpu.memory_space<vmem>> -> memref<1x128xi32, #tpu.memory_space<vmem>>
          %dma_wait3A_220 = tpu.memref_squeeze %dma_wait3A_219 : memref<1x128xi32, #tpu.memory_space<vmem>> -> memref<128xi32, #tpu.memory_space<vmem>>
          %dma_wait3A_221 = tpu.memref_slice %arg4[%add3A_186] : memref<327680xi32, #tpu.memory_space<hbm>> -> memref<128xi32, #tpu.memory_space<hbm>>
          tpu.wait_dma2 semaphore(%run_scoped3A_205 : memref<!tpu.dma_semaphore, #tpu.memory_space<semaphore_mem>>) src(%dma_wait3A_221 : memref<128xi32, #tpu.memory_space<hbm>>) dst(%dma_wait3A_220 : memref<128xi32, #tpu.memory_space<vmem>>)
          tpu.yield
        }) : () -> ()
        %run_scoped3A_188 = arith.constant 1 : i32
        "tpu.region"() ({
          %run_scoped3A_205 = tpu.sem_alloc : memref<!tpu.dma_semaphore, #tpu.memory_space<semaphore_mem>>
          %dma_start3A_206 = arith.constant 0 : i32
          %dma_start3A_207 = tpu.memref_slice %arg10[%run_scoped3A_188, %dma_start3A_206] : memref<2x128xi32, #tpu.memory_space<vmem>> -> memref<1x128xi32, #tpu.memory_space<vmem>>
          %dma_start3A_208 = tpu.memref_squeeze %dma_start3A_207 : memref<1x128xi32, #tpu.memory_space<vmem>> -> memref<128xi32, #tpu.memory_space<vmem>>
          %dma_start3A_209 = tpu.memref_slice %arg3[%add3A_186] : memref<327680xi32, #tpu.memory_space<hbm>> -> memref<128xi32, #tpu.memory_space<hbm>>
          %dma_start3A_210 = arith.constant 0 : i32
          %dma_start3A_211 = tpu.memref_slice %arg10[%run_scoped3A_188, %dma_start3A_210] : memref<2x128xi32, #tpu.memory_space<vmem>> -> memref<1x128xi32, #tpu.memory_space<vmem>>
          %dma_start3A_212 = tpu.memref_squeeze %dma_start3A_211 : memref<1x128xi32, #tpu.memory_space<vmem>> -> memref<128xi32, #tpu.memory_space<vmem>>
          %dma_start3A_213 = tpu.memref_slice %arg3[%add3A_186] : memref<327680xi32, #tpu.memory_space<hbm>> -> memref<128xi32, #tpu.memory_space<hbm>>
          tpu.enqueue_dma source(%dma_start3A_213 : memref<128xi32, #tpu.memory_space<hbm>>) target(%dma_start3A_212 : memref<128xi32, #tpu.memory_space<vmem>>) target_semaphore(%run_scoped3A_205 : memref<!tpu.dma_semaphore, #tpu.memory_space<semaphore_mem>>)
          %dma_wait3A_214 = arith.constant 0 : i32
          %dma_wait3A_215 = tpu.memref_slice %arg10[%run_scoped3A_188, %dma_wait3A_214] : memref<2x128xi32, #tpu.memory_space<vmem>> -> memref<1x128xi32, #tpu.memory_space<vmem>>
          %dma_wait3A_216 = tpu.memref_squeeze %dma_wait3A_215 : memref<1x128xi32, #tpu.memory_space<vmem>> -> memref<128xi32, #tpu.memory_space<vmem>>
          %dma_wait3A_217 = tpu.memref_slice %arg3[%add3A_186] : memref<327680xi32, #tpu.memory_space<hbm>> -> memref<128xi32, #tpu.memory_space<hbm>>
          %dma_wait3A_218 = arith.constant 0 : i32
          %dma_wait3A_219 = tpu.memref_slice %arg10[%run_scoped3A_188, %dma_wait3A_218] : memref<2x128xi32, #tpu.memory_space<vmem>> -> memref<1x128xi32, #tpu.memory_space<vmem>>
          %dma_wait3A_220 = tpu.memref_squeeze %dma_wait3A_219 : memref<1x128xi32, #tpu.memory_space<vmem>> -> memref<128xi32, #tpu.memory_space<vmem>>
          %dma_wait3A_221 = tpu.memref_slice %arg3[%add3A_186] : memref<327680xi32, #tpu.memory_space<hbm>> -> memref<128xi32, #tpu.memory_space<hbm>>
          tpu.wait_dma2 semaphore(%run_scoped3A_205 : memref<!tpu.dma_semaphore, #tpu.memory_space<semaphore_mem>>) src(%dma_wait3A_221 : memref<128xi32, #tpu.memory_space<hbm>>) dst(%dma_wait3A_220 : memref<128xi32, #tpu.memory_space<vmem>>)
          tpu.yield
        }) : () -> ()
        %run_scoped3A_189 = arith.constant 1 : i32
        "tpu.region"() ({
          %run_scoped3A_205 = tpu.sem_alloc : memref<!tpu.dma_semaphore, #tpu.memory_space<semaphore_mem>>
          %dma_start3A_206 = arith.constant 0 : i32
          %dma_start3A_207 = tpu.memref_slice %arg12[%run_scoped3A_189, %dma_start3A_206] : memref<2x128xf32, #tpu.memory_space<vmem>> -> memref<1x128xf32, #tpu.memory_space<vmem>>
          %dma_start3A_208 = tpu.memref_squeeze %dma_start3A_207 : memref<1x128xf32, #tpu.memory_space<vmem>> -> memref<128xf32, #tpu.memory_space<vmem>>
          %dma_start3A_209 = tpu.memref_slice %arg5[%add3A_186] : memref<327680xf32, #tpu.memory_space<hbm>> -> memref<128xf32, #tpu.memory_space<hbm>>
          %dma_start3A_210 = arith.constant 0 : i32
          %dma_start3A_211 = tpu.memref_slice %arg12[%run_scoped3A_189, %dma_start3A_210] : memref<2x128xf32, #tpu.memory_space<vmem>> -> memref<1x128xf32, #tpu.memory_space<vmem>>
          %dma_start3A_212 = tpu.memref_squeeze %dma_start3A_211 : memref<1x128xf32, #tpu.memory_space<vmem>> -> memref<128xf32, #tpu.memory_space<vmem>>
          %dma_start3A_213 = tpu.memref_slice %arg5[%add3A_186] : memref<327680xf32, #tpu.memory_space<hbm>> -> memref<128xf32, #tpu.memory_space<hbm>>
          tpu.enqueue_dma source(%dma_start3A_213 : memref<128xf32, #tpu.memory_space<hbm>>) target(%dma_start3A_212 : memref<128xf32, #tpu.memory_space<vmem>>) target_semaphore(%run_scoped3A_205 : memref<!tpu.dma_semaphore, #tpu.memory_space<semaphore_mem>>)
          %dma_wait3A_214 = arith.constant 0 : i32
          %dma_wait3A_215 = tpu.memref_slice %arg12[%run_scoped3A_189, %dma_wait3A_214] : memref<2x128xf32, #tpu.memory_space<vmem>> -> memref<1x128xf32, #tpu.memory_space<vmem>>
          %dma_wait3A_216 = tpu.memref_squeeze %dma_wait3A_215 : memref<1x128xf32, #tpu.memory_space<vmem>> -> memref<128xf32, #tpu.memory_space<vmem>>
          %dma_wait3A_217 = tpu.memref_slice %arg5[%add3A_186] : memref<327680xf32, #tpu.memory_space<hbm>> -> memref<128xf32, #tpu.memory_space<hbm>>
          %dma_wait3A_218 = arith.constant 0 : i32
          %dma_wait3A_219 = tpu.memref_slice %arg12[%run_scoped3A_189, %dma_wait3A_218] : memref<2x128xf32, #tpu.memory_space<vmem>> -> memref<1x128xf32, #tpu.memory_space<vmem>>
          %dma_wait3A_220 = tpu.memref_squeeze %dma_wait3A_219 : memref<1x128xf32, #tpu.memory_space<vmem>> -> memref<128xf32, #tpu.memory_space<vmem>>
          %dma_wait3A_221 = tpu.memref_slice %arg5[%add3A_186] : memref<327680xf32, #tpu.memory_space<hbm>> -> memref<128xf32, #tpu.memory_space<hbm>>
          tpu.wait_dma2 semaphore(%run_scoped3A_205 : memref<!tpu.dma_semaphore, #tpu.memory_space<semaphore_mem>>) src(%dma_wait3A_221 : memref<128xf32, #tpu.memory_space<hbm>>) dst(%dma_wait3A_220 : memref<128xf32, #tpu.memory_space<vmem>>)
          tpu.yield
        }) : () -> ()
        %dma_start3A_190 = arith.constant 1 : i32
        %dma_start3A_191 = arith.constant 1 : i32
        %dma_start3A_192 = arith.constant 1 : i32
        %dma_start3A_193 = arith.constant 0 : i32
        %dma_start3A_194 = arith.constant 0 : i32
        %dma_start3A_195 = tpu.memref_slice %arg11[%dma_start3A_191, %dma_start3A_193, %dma_start3A_194] : memref<2x128x128xf32, #tpu.memory_space<vmem>> -> memref<1x128x128xf32, #tpu.memory_space<vmem>>
        %dma_start3A_196 = tpu.memref_squeeze %dma_start3A_195 : memref<1x128x128xf32, #tpu.memory_space<vmem>> -> memref<128x128xf32, #tpu.memory_space<vmem>>
        %dma_start3A_197 = arith.constant 0 : i32
        %dma_start3A_198 = tpu.memref_slice %arg9[%dma_start3A_190, %dma_start3A_197] : memref<2x128xi32, #tpu.memory_space<vmem>> -> memref<1x128xi32, #tpu.memory_space<vmem>>
        %dma_start3A_199 = tpu.memref_squeeze %dma_start3A_198 : memref<1x128xi32, #tpu.memory_space<vmem>> -> memref<128xi32, #tpu.memory_space<vmem>>
        %dma_start3A_200 = arith.constant 0 : i32
        %dma_start3A_201 = arith.constant 0 : i32
        %dma_start3A_202 = tpu.memref_slice %arg2[%dma_start3A_200, %dma_start3A_201] : memref<10000x128xf32, #tpu.memory_space<hbm>> -> memref<10000x128xf32, #tpu.memory_space<hbm>>
        %dma_start3A_203 = tpu.memref_slice %arg13[%dma_start3A_192] : memref<2x!tpu.dma_semaphore, #tpu.memory_space<semaphore_mem>> -> memref<1x!tpu.dma_semaphore, #tpu.memory_space<semaphore_mem>>
        %dma_start3A_204 = tpu.memref_squeeze %dma_start3A_203 : memref<1x!tpu.dma_semaphore, #tpu.memory_space<semaphore_mem>> -> memref<!tpu.dma_semaphore, #tpu.memory_space<semaphore_mem>>
        tpu.enqueue_indirect_dma source(%dma_start3A_202 : memref<10000x128xf32, #tpu.memory_space<hbm>>) target(%dma_start3A_196 : memref<128x128xf32, #tpu.memory_space<vmem>>) offsets(%dma_start3A_199 : memref<128xi32, #tpu.memory_space<vmem>>) semaphore(%dma_start3A_204 : memref<!tpu.dma_semaphore, #tpu.memory_space<semaphore_mem>>)
      } else {
      }
    }
    %scan3A_48 = arith.constant 40 : i32
    %dma_wait3A = arith.constant 0 : i32
    %dma_wait3A_49 = arith.constant 0 : i32
    %dma_wait3A_50 = arith.constant 0 : i32
    %dma_wait3A_51 = arith.constant 0 : i32
    %dma_wait3A_52 = arith.constant 0 : i32
    %dma_wait3A_53 = tpu.memref_slice %arg11[%dma_wait3A, %dma_wait3A_51, %dma_wait3A_52] : memref<2x128x128xf32, #tpu.memory_space<vmem>> -> memref<1x128x128xf32, #tpu.memory_space<vmem>>
    %dma_wait3A_54 = tpu.memref_squeeze %dma_wait3A_53 : memref<1x128x128xf32, #tpu.memory_space<vmem>> -> memref<128x128xf32, #tpu.memory_space<vmem>>
    %dma_wait3A_55 = arith.constant 0 : i32
    %dma_wait3A_56 = tpu.memref_slice %arg10[%dma_wait3A_49, %dma_wait3A_55] : memref<2x128xi32, #tpu.memory_space<vmem>> -> memref<1x128xi32, #tpu.memory_space<vmem>>
    %dma_wait3A_57 = tpu.memref_squeeze %dma_wait3A_56 : memref<1x128xi32, #tpu.memory_space<vmem>> -> memref<128xi32, #tpu.memory_space<vmem>>
    %dma_wait3A_58 = arith.constant 0 : i32
    %dma_wait3A_59 = arith.constant 0 : i32
    %dma_wait3A_60 = tpu.memref_slice %arg8[%dma_wait3A_58, %dma_wait3A_59] : memref<10112x128xf32, #tpu.memory_space<vmem_shared>> -> memref<10112x128xf32, #tpu.memory_space<vmem_shared>>
    %dma_wait3A_61 = tpu.memref_slice %arg14[%dma_wait3A_50] : memref<2x!tpu.dma_semaphore, #tpu.memory_space<semaphore_mem>> -> memref<1x!tpu.dma_semaphore, #tpu.memory_space<semaphore_mem>>
    %dma_wait3A_62 = tpu.memref_squeeze %dma_wait3A_61 : memref<1x!tpu.dma_semaphore, #tpu.memory_space<semaphore_mem>> -> memref<!tpu.dma_semaphore, #tpu.memory_space<semaphore_mem>>
    tpu.wait_indirect_dma semaphore(%dma_wait3A_62 : memref<!tpu.dma_semaphore, #tpu.memory_space<semaphore_mem>>) src(%dma_wait3A_54 : memref<128x128xf32, #tpu.memory_space<vmem>>) dst(%dma_wait3A_60 : memref<10112x128xf32, #tpu.memory_space<vmem_shared>>)
    %dma_wait3A_63 = arith.constant 1 : i32
    %dma_wait3A_64 = arith.constant 1 : i32
    %dma_wait3A_65 = arith.constant 1 : i32
    %dma_wait3A_66 = arith.constant 0 : i32
    %dma_wait3A_67 = arith.constant 0 : i32
    %dma_wait3A_68 = tpu.memref_slice %arg11[%dma_wait3A_63, %dma_wait3A_66, %dma_wait3A_67] : memref<2x128x128xf32, #tpu.memory_space<vmem>> -> memref<1x128x128xf32, #tpu.memory_space<vmem>>
    %dma_wait3A_69 = tpu.memref_squeeze %dma_wait3A_68 : memref<1x128x128xf32, #tpu.memory_space<vmem>> -> memref<128x128xf32, #tpu.memory_space<vmem>>
    %dma_wait3A_70 = arith.constant 0 : i32
    %dma_wait3A_71 = tpu.memref_slice %arg10[%dma_wait3A_64, %dma_wait3A_70] : memref<2x128xi32, #tpu.memory_space<vmem>> -> memref<1x128xi32, #tpu.memory_space<vmem>>
    %dma_wait3A_72 = tpu.memref_squeeze %dma_wait3A_71 : memref<1x128xi32, #tpu.memory_space<vmem>> -> memref<128xi32, #tpu.memory_space<vmem>>
    %dma_wait3A_73 = arith.constant 0 : i32
    %dma_wait3A_74 = arith.constant 0 : i32
    %dma_wait3A_75 = tpu.memref_slice %arg8[%dma_wait3A_73, %dma_wait3A_74] : memref<10112x128xf32, #tpu.memory_space<vmem_shared>> -> memref<10112x128xf32, #tpu.memory_space<vmem_shared>>
    %dma_wait3A_76 = tpu.memref_slice %arg14[%dma_wait3A_65] : memref<2x!tpu.dma_semaphore, #tpu.memory_space<semaphore_mem>> -> memref<1x!tpu.dma_semaphore, #tpu.memory_space<semaphore_mem>>
    %dma_wait3A_77 = tpu.memref_squeeze %dma_wait3A_76 : memref<1x!tpu.dma_semaphore, #tpu.memory_space<semaphore_mem>> -> memref<!tpu.dma_semaphore, #tpu.memory_space<semaphore_mem>>
    tpu.wait_indirect_dma semaphore(%dma_wait3A_77 : memref<!tpu.dma_semaphore, #tpu.memory_space<semaphore_mem>>) src(%dma_wait3A_69 : memref<128x128xf32, #tpu.memory_space<vmem>>) dst(%dma_wait3A_75 : memref<10112x128xf32, #tpu.memory_space<vmem_shared>>)
    %barrier3A_78 = arith.constant 0 : index
    tpu.barrier barrier_id(%barrier3A_78)
    %mul3A_79 = arith.constant 632 : i32
    %mul3A_80 = arith.muli %arg1, %mul3A_79 : i32
    %mul3A_81 = arith.constant 632 : i32
    %mul3A_82 = arith.muli %arg1, %mul3A_81 : i32
    "tpu.region"() ({
      %run_scoped3A_83 = tpu.sem_alloc : memref<!tpu.dma_semaphore, #tpu.memory_space<semaphore_mem>>
      %dma_start3A_84 = arith.constant 0 : i32
      %dma_start3A_85 = tpu.memref_slice %arg7[%arg0, %mul3A_82, %dma_start3A_84] : memref<2x10112x128xf32, #tpu.memory_space<hbm>> -> memref<1x632x128xf32, #tpu.memory_space<hbm>>
      %dma_start3A_86 = tpu.memref_squeeze %dma_start3A_85 : memref<1x632x128xf32, #tpu.memory_space<hbm>> -> memref<632x128xf32, #tpu.memory_space<hbm>>
      %dma_start3A_87 = arith.constant 0 : i32
      %dma_start3A_88 = tpu.memref_slice %arg8[%mul3A_80, %dma_start3A_87] : memref<10112x128xf32, #tpu.memory_space<vmem_shared>> -> memref<632x128xf32, #tpu.memory_space<vmem_shared>>
      tpu.enqueue_dma source(%dma_start3A_88 : memref<632x128xf32, #tpu.memory_space<vmem_shared>>) target(%dma_start3A_86 : memref<632x128xf32, #tpu.memory_space<hbm>>) target_semaphore(%run_scoped3A_83 : memref<!tpu.dma_semaphore, #tpu.memory_space<semaphore_mem>>)
      %dma_wait3A_89 = arith.constant 0 : i32
      %dma_wait3A_90 = tpu.memref_slice %arg7[%arg0, %mul3A_82, %dma_wait3A_89] : memref<2x10112x128xf32, #tpu.memory_space<hbm>> -> memref<1x632x128xf32, #tpu.memory_space<hbm>>
      %dma_wait3A_91 = tpu.memref_squeeze %dma_wait3A_90 : memref<1x632x128xf32, #tpu.memory_space<hbm>> -> memref<632x128xf32, #tpu.memory_space<hbm>>
      %dma_wait3A_92 = arith.constant 0 : i32
      %dma_wait3A_93 = tpu.memref_slice %arg8[%mul3A_80, %dma_wait3A_92] : memref<10112x128xf32, #tpu.memory_space<vmem_shared>> -> memref<632x128xf32, #tpu.memory_space<vmem_shared>>
      tpu.wait_dma2 semaphore(%run_scoped3A_83 : memref<!tpu.dma_semaphore, #tpu.memory_space<semaphore_mem>>) src(%dma_wait3A_93 : memref<632x128xf32, #tpu.memory_space<vmem_shared>>) dst(%dma_wait3A_91 : memref<632x128xf32, #tpu.memory_space<hbm>>)
      tpu.yield
    }) : () -> ()
    return
  }
}

module attributes {stable_mosaic.version = 14 : i64} {
  func.func @body(%arg0: i32, %arg1: memref<1x1264x128xf32, #tpu.memory_space<vmem>>, %arg2: memref<1x1264x128xf32, #tpu.memory_space<vmem>>, %arg3: memref<128x128xf32, #tpu.memory_space<vmem>>, %arg4: memref<1x128xf32, #tpu.memory_space<vmem>>, %arg5: memref<1264x128xf32, #tpu.memory_space<vmem>>) attributes {dimension_semantics = [#tpu.dimension_semantics<arbitrary>], iteration_bounds = array<i64: 8>, scalar_prefetch = 0 : i64, scratch_operands = 0 : i64, tpu.core_type = #tpu.core_type<tc>, window_params = [{transform_indices = @transform_0, window_bounds = array<i64: 1, 1264, 128>}, {transform_indices = @transform_1, window_bounds = array<i64: 1, 1264, 128>}, {pipeline_mode = #tpu.pipeline_mode<synchronous>, transform_indices = @transform_2, window_bounds = array<i64: 128, 128>}, {pipeline_mode = #tpu.pipeline_mode<synchronous>, transform_indices = @transform_3, window_bounds = array<i64: 1, 128>}, {transform_indices = @transform_4, window_bounds = array<i64: 1264, 128>}]} {
    %get3A = arith.constant 0 : index
    %get3A_0 = arith.constant 0 : index
    %get3A_1 = arith.constant 0 : index
    %get3A_2 = vector.load %arg1[%get3A, %get3A_0, %get3A_1] : memref<1x1264x128xf32, #tpu.memory_space<vmem>>, vector<1x1264x128xf32>
    %get3A_3 = vector.shape_cast %get3A_2 : vector<1x1264x128xf32> to vector<1264x128xf32>
    %get3A_4 = arith.constant 0 : index
    %get3A_5 = arith.constant 0 : index
    %get3A_6 = arith.constant 0 : index
    %get3A_7 = vector.load %arg2[%get3A_4, %get3A_5, %get3A_6] : memref<1x1264x128xf32, #tpu.memory_space<vmem>>, vector<1x1264x128xf32>
    %get3A_8 = vector.shape_cast %get3A_7 : vector<1x1264x128xf32> to vector<1264x128xf32>
    %add3A = arith.addf %get3A_3, %get3A_8 : vector<1264x128xf32>
    %get3A_9 = arith.constant 0 : index
    %get3A_10 = arith.constant 0 : index
    %get3A_11 = vector.load %arg3[%get3A_9, %get3A_10] : memref<128x128xf32, #tpu.memory_space<vmem>>, vector<128x128xf32>
    %dot_general3A = arith.constant dense<0.000000e+00> : vector<1264x128xf32>
    %dot_general3A_12 = tpu.matmul %add3A, %get3A_11, %dot_general3A {dimension_numbers = #tpu.dot_dimension_numbers<[1], [0], [0], [1], [0, 0, 1, 1], [], []>, precision = #tpu.contract_precision<fp32>, transpose_lhs_hint = false} : vector<1264x128xf32>, vector<128x128xf32>, vector<1264x128xf32> -> vector<1264x128xf32>
    %get3A_13 = arith.constant 0 : index
    %get3A_14 = arith.constant 0 : index
    %get3A_15 = vector.load %arg4[%get3A_13, %get3A_14] : memref<1x128xf32, #tpu.memory_space<vmem>>, vector<1x128xf32>
    %add3A_16 = vector.broadcast %get3A_15 : vector<1x128xf32> to vector<1264x128xf32>
    %add3A_17 = arith.addf %dot_general3A_12, %add3A_16 : vector<1264x128xf32>
    %swap3A = arith.constant 0 : index
    %swap3A_18 = arith.constant 0 : index
    %swap3A_19 = vector.load %arg5[%swap3A, %swap3A_18] : memref<1264x128xf32, #tpu.memory_space<vmem>>, vector<1264x128xf32>
    tpu.vector_store %arg5[%swap3A, %swap3A_18], %add3A_17 {strides = array<i32>} : memref<1264x128xf32, #tpu.memory_space<vmem>>, vector<1264x128xf32>,
    return
  }
  func.func @transform_0(%arg0: i32) -> (i32, i32, i32) {
    %c0_i32 = arith.constant 0 : i32
    %c0_i32_0 = arith.constant 0 : i32
    %c0_i32_1 = arith.constant 0 : i32
    return %c0_i32, %arg0, %c0_i32_0 : i32, i32, i32
  }
  func.func @transform_1(%arg0: i32) -> (i32, i32, i32) {
    %c1_i32 = arith.constant 1 : i32
    %c0_i32 = arith.constant 0 : i32
    %c0_i32_0 = arith.constant 0 : i32
    return %c1_i32, %arg0, %c0_i32 : i32, i32, i32
  }
  func.func @transform_2(%arg0: i32) -> (i32, i32) {
    %c0_i32 = arith.constant 0 : i32
    %c0_i32_0 = arith.constant 0 : i32
    %c0_i32_1 = arith.constant 0 : i32
    return %c0_i32, %c0_i32_0 : i32, i32
  }
  func.func @transform_3(%arg0: i32) -> (i32, i32) {
    %c0_i32 = arith.constant 0 : i32
    %c0_i32_0 = arith.constant 0 : i32
    %c0_i32_1 = arith.constant 0 : i32
    return %c0_i32, %c0_i32_0 : i32, i32
  }
  func.func @transform_4(%arg0: i32) -> (i32, i32) {
    %c0_i32 = arith.constant 0 : i32
    %c0_i32_0 = arith.constant 0 : i32
    return %arg0, %c0_i32 : i32, i32
  }
}

</mosaic_0001>

<sc_bundles>
// kernel: kernel.4.cloned.1.call-start
scs
__scs_entry_jumppad:
0x0: {  	(pc) =	sbr.rel $0x88, $3  }
0x1: {  	(tag) =	ssettag $0x0;
	lr =	simm.s32 $0x1  }
0x2: {  	[smem:$0x3F9C] =	sst lr;
	_ =	strace $0xD0000000  }
0x3: {  	_ = 	snop  }
0x4: {  	_ = 	snop  }
0x5: {  	_ = 	snop  }
0x6: {  	_ = 	snop  }
0x7: {  	_ = 	snop  }
__scs_overlays_trampoline_lowered:
0x8: {  	[smem:$0x3FAB] =	sst s0  }
0x9: {  	[smem:$0x3FAC] =	sst s1  }
0xa: {  	[smem:$0x3FAD] =	sst s2  }
0xb: {  	[smem:$0x3FAE] =	sst s3  }
0xc: {  	[smem:$0x3FAF] =	sst s4  }
0xd: {  	[smem:$0x3FB0] =	sst s5  }
0xe: {  	[smem:$0x3FB1] =	sst s6  }
0xf: {  	[smem:$0x3FB2] =	sst s7  }
0x10: {  	[smem:$0x3FB3] =	sst s8  }
0x11: {  	[smem:$0x3FB4] =	sst s9;
	s0 =	simm.s32 @!p0 $0x0  }
0x12: {  	s1 =	sld [smem:$0x3F9A];
	s0 =	simm.s32 @p0 $0x1  }
0x13: {  	[smem:$0x3FB5] =	sst s0;
	s0 =	simm.s32 @!p1 $0x0  }
0x14: {  	s2 =	sld [smem:$0x3F99];
	s0 =	simm.s32 @p1 $0x1  }
0x15: {  	[smem:$0x3FB6] =	sst s0;
	s0 =	simm.s32 @!p2 $0x0  }
0x16: {  	s3 =	sld [smem:$0x3FDB];
	s0 =	simm.s32 @p2 $0x1  }
0x17: {  	s4 =	simm.s32 $0x1BF5;
	[smem:$0x3FB8] =	sst s0  }
0x18: {  	s0 =	sld [smem:$0x3F9B];
	_ =	swait.ge [sflag:s4], $0x0  }
0x19: {  	s7 =	sld [smem:$0x3F9C]  }
0x1a: {  	s8 =	sadd.s32 $0xFFFFE003, lr  }
0x1b: {  	s9 =	sadd.s32 $0xFFFFFEF7, lr;
	s5 =	simm.s32 $0xFFFFFFFF;
	p2 =	slt.u32 s8, $0xFFFFF086  }
0x1c: {  	p1 =	slt.u32 s9, $0xF7A;
	s5 =	simm.s32 @!p2 $0x0  }
0x1d: {  	s5 =	simm.s32 @p1 $0x1;
	p0 =	seq.s32 s7, s2  }
0x1e: {  	s7 =	smul.u32 @!p0 $0xF7A, s2;
	p2 =	seq.s32 @!p0 s5, $0x0  }
0x1f: {  	s9 =	smul.u32 $0xF7A, s1;
	s8 =	simm.s32 @!p0 $0x1BF5;
	p2 =	por !p2, p0  }
0x20: {  	[sflag:s8] =	ssyncset.s32 @!p0 $0xFFFFF086;
	s6 =	sadd.s32 @!p0 s3, s7;
	s7 =	simm.s32 @!p0 $0x108  }
0x21: {  	s3 =	sadd.s32 s3, s9;
	s6 =	sadd.s32 @!p0 $0x88, s6;
	s7 =	simm.s32 @p2 $0x1082  }
0x22: {  	[simem:s7], [sflag:s8] =	dma.local @!p0 [hbm:s6], $0xF7A  }
0x23: {  	s9 =	sor.u32 $0xD0000000, s2;
	s6 =	simm.s32 $0x108;
	_ =	swait.ge @!p0 [sflag:s8], $0x0  }
0x24: {  	s3 =	sadd.s32 $0x88, s3;
	s6 =	simm.s32 @!p1 $0x1082;
	[sflag:s4] =	ssyncset.s32 $0xFFFFF086  }
0x25: {  	[simem:s6], [sflag:s4] =	dma.local [hbm:s3], $0xF7A  }
0x26: {  	[smem:$0x3F9C] =	sst s1;
	(tag) =	ssettag s2;
	_ =	strace s9  }
0x27: {  	s1 =	sld [smem:$0x3FAC]  }
0x28: {  	s2 =	sld [smem:$0x3FAD]  }
0x29: {  	s4 =	sld [smem:$0x3FAF]  }
0x2a: {  	p0 =	seq.s32 s5, $0x0;
	s5 =	sld [smem:$0x3FB0]  }
0x2b: {  	s6 =	sld [smem:$0x3FB1]  }
0x2c: {  	s7 =	sld [smem:$0x3FB2]  }
0x2d: {  	s3 =	simm.s32 $0x108;
	s8 =	sld [smem:$0x3FB3]  }
0x2e: {  	s3 =	simm.s32 @!p0 $0x1082;
	s9 =	sld [smem:$0x3FB4]  }
0x2f: {  	lr =	sadd.s32 s0, s3;
	s0 =	sld [smem:$0x3FAB]  }
0x30: {  	s3 =	sld [smem:$0x3FAE]  }
0x31: {  	[smem:$0x3FB7] =	sst s10  }
0x32: {  	s10 =	sld [smem:$0x3FB5];
	_ =	sdelay $0x3  }
0x33: {  	p0 =	seq.s32 s10, $0x1;
	s10 =	sld [smem:$0x3FB7];
	_ =	sdelay $0x3  }
0x34: {  	[smem:$0x3FB7] =	sst s10  }
0x35: {  	s10 =	sld [smem:$0x3FB6];
	_ =	sdelay $0x3  }
0x36: {  	p1 =	seq.s32 s10, $0x1;
	s10 =	sld [smem:$0x3FB7];
	_ =	sdelay $0x3  }
0x37: {  	[smem:$0x3FB7] =	sst s10  }
0x38: {  	s10 =	sld [smem:$0x3FB8]  }
0x39: {  	_ = 	snop;
	(pc) =	sbr.ind lr, $3  }
0x3a: {  	_ = 	snop  }
0x3b: {  	_ = 	snop  }
0x3c: {  	p2 =	seq.s32 s10, $0x1;
	s10 =	sld [smem:$0x3FB7]  }
0x3d: {  	_ =	shalt  }
0x3e: {  	_ =	shalt  }
0x3f: {  	_ =	shalt  }
0x40: {  	_ =	shalt  }
0x41: {  	_ =	shalt  }
0x42: {  	_ =	shalt  }
0x43: {  	_ =	shalt  }
0x44: {  	_ =	shalt  }
0x45: {  	_ =	shalt  }
0x46: {  	_ =	shalt  }
0x47: {  	_ =	shalt  }
0x48: {  	_ =	shalt  }
0x49: {  	_ =	shalt  }
0x4a: {  	_ =	shalt  }
0x4b: {  	_ =	shalt  }
0x4c: {  	_ =	shalt  }
0x4d: {  	_ =	shalt  }
0x4e: {  	_ =	shalt  }
0x4f: {  	_ =	shalt  }
0x50: {  	_ =	shalt  }
0x51: {  	_ =	shalt  }
0x52: {  	_ =	shalt  }
0x53: {  	_ =	shalt  }
0x54: {  	_ =	shalt  }
0x55: {  	_ =	shalt  }
0x56: {  	_ =	shalt  }
0x57: {  	_ =	shalt  }
0x58: {  	_ =	shalt  }
0x59: {  	_ =	shalt  }
0x5a: {  	_ =	shalt  }
0x5b: {  	_ =	shalt  }
0x5c: {  	_ =	shalt  }
0x5d: {  	_ =	shalt  }
0x5e: {  	_ =	shalt  }
0x5f: {  	_ =	shalt  }
0x60: {  	_ =	shalt  }
0x61: {  	_ =	shalt  }
0x62: {  	_ =	shalt  }
0x63: {  	_ =	shalt  }
0x64: {  	_ =	shalt  }
0x65: {  	_ =	shalt  }
0x66: {  	_ =	shalt  }
0x67: {  	_ =	shalt  }
0x68: {  	_ =	shalt  }
0x69: {  	_ =	shalt  }
0x6a: {  	_ =	shalt  }
0x6b: {  	_ =	shalt  }
0x6c: {  	_ =	shalt  }
0x6d: {  	_ =	shalt  }
0x6e: {  	_ =	shalt  }
0x6f: {  	_ =	shalt  }
0x70: {  	_ =	shalt  }
0x71: {  	_ =	shalt  }
0x72: {  	_ =	shalt  }
0x73: {  	_ =	shalt  }
0x74: {  	_ =	shalt  }
0x75: {  	_ =	shalt  }
0x76: {  	_ =	shalt  }
0x77: {  	_ =	shalt  }
0x78: {  	_ =	shalt  }
0x79: {  	_ =	shalt  }
0x7a: {  	_ =	shalt  }
0x7b: {  	_ =	shalt  }
0x7c: {  	_ =	shalt  }
0x7d: {  	_ =	shalt  }
0x7e: {  	_ =	shalt  }
0x7f: {  	_ =	shalt  }
0x80: {  	_ =	shalt  }
0x81: {  	_ =	shalt  }
0x82: {  	_ =	shalt  }
0x83: {  	_ =	shalt  }
0x84: {  	_ =	shalt  }
0x85: {  	_ =	shalt  }
0x86: {  	_ =	shalt  }
0x87: {  	_ =	shalt  }
.Lfunc_end0:
.L_simem_size_0:
called_computation_lowered:
.L_overlay_start_0:
0x88: {  	s2 =	sld [smem:$0x3FD9]  }
0x89: {  	s3 =	sld [smem:$0x3FFE];
	_ =	sdelay $0x1  }
0x8a: {  	s1 =	srdreg.scid  }
0x8b: {  	s0 =	sand.u32 $0x1, s1  }
0x8c: {  	s17 =	sshll.u32 s0, $0xA;
	s2 =	sadd.s32 s3, s2  }
0x8d: {  	s2 =	sadd.s32 s2, s17  }
0x8e: {  	[smem:$0x3FC3] =	sst s2  }
0x8f: {  	_ = 	snop  }
0x90: {  	s2 =	sld [smem:$0x3FC9]  }
0x91: {  	s18 =	sld [smem:$0x3FD0];
	(tm) =	ssettm $0x1  }
0x92: {  	s4 =	sld [smem:$0x3FFB];
	_ =	sdelay $0x3  }
0x93: {  	_ =	strace s4  }
0x94: {  	s4 =	sld [smem:$0x3FFC];
	_ =	sdelay $0x3  }
0x95: {  	_ =	strace s4  }
0x96: {  	s4 =	sld [smem:$0x3FFD];
	_ =	sdelay $0x3  }
0x97: {  	_ =	strace s4  }
0x98: {  	_ =	strace $0x8FFFFFFF  }
0x99: {  	s19 =	sld [smem:$0x3FDB];
	_ =	sdelay $0x1  }
0x9a: {  	s5 =	simm.s32 $_scs_section_size  }
0x9b: {  	s6 =	simm.s32 $_size__tile_overlayer_lowered;
	s7 =	simm.s32 $_tile_overlayer_lowered  }
0x9c: {  	s22 =	simm.s32 $0x1BFF;
	s21 =	sshll.u32 s7, $0x1;
	s4 =	sadd.s32 s5, s19  }
0x9d: {  	s8 =	simm.s32 $0x0;
	s20 =	sshll.u32 s6, $0x1;
	s6 =	sadd.s32 s21, s4  }
0x9e: {  	[timem:s8], [sflag:s22] =	dma.local [hbm:s6], s20  }
0x9f: {  	_ =	swait.ge [sflag:s22], s20  }
0xa0: {  	s5 =	ssub.s32 $0x0, s20;
	[sflag:s22] =	ssyncset.done $0x0  }
0xa1: {  	[sflag:s22] =	ssyncadd.s32 s5;
	_ =	sdelay $0x1  }
0xa2: {  	s23 =	simm.s32 $0x1B8B  }
0xa3: {  	_ =	swait.ge [sflag:s23], $0x1  }
0xa4: {  	[sflag:s23] =	ssyncset.done $0x0  }
0xa5: {  	s25 =	simm.s32 $0x1B8E;
	s24 =	sld [smem:$0x3FFE];
	[sflag:s23] =	ssyncadd.s32 $0xFFFFFFFF  }
0xa6: {  	s26 =	simm.s32 $execute0_lowered;
	[smem:$0x3FD2] =	sst s25  }
0xa7: {  	s6 =	sshll.u32 s26, $0x1;
	_ =	strace $0x80000046;
	[dreg:$0x1] =	wrdreg $0xFFFFFFFF  }
0xa8: {  	s28 =	simm.s32 $_size_execute0_lowered;
	s4 =	sadd.s32 s4, s6;
	[dreg:$0x0] =	wrdreg $0x0  }
0xa9: {  	s6 =	sshll.u32 s28, $0x1;
	[dreg:$0x2] =	wrdreg s4  }
0xaa: {  	[dreg:$0x3] =	wrdreg s6  }
0xab: {  	[dreg:$0x4] =	wrdreg $0xC0  }
0xac: {  	_ =	task [dreg:s8], $0x5FFFF  }
0xad: {  	[dreg:$0x1] =	wrdreg $0xFFFFFFFF  }
0xae: {  	[dreg:$0x0] =	wrdreg $0x60  }
0xaf: {  	[dreg:$0x2] =	wrdreg s2  }
0xb0: {  	[dreg:$0x3] =	wrdreg s18  }
0xb1: {  	[dreg:$0x4] =	wrdreg s24  }
0xb2: {  	[dreg:$0x5] =	wrdreg $0x0  }
0xb3: {  	[dreg:$0x6] =	wrdreg $0x9  }
0xb4: {  	_ =	task.clear_ibuf [dreg:s8], $0x7FFFF;
	_ =	strace $0x90000046  }
0xb5: {  	s29 =	simm.s32 $0x9;
	_ =	strace $0x80000048  }
0xb6: {  	_ =	swait.ge [sflag:s29], $0x1  }
0xb7: {  	[sflag:s29] =	ssyncadd.s32 $0xFFFFFFFF  }
0xb8: {  	_ =	strace $0x90000048  }
0xb9: {  	_ =	sfence  }
0xba: {  	s30 =	sld [smem:$0x0];
	_ =	sdelay $0x2  }
0xbb: {  	s31 =	sshll.u32 s1, $0xD;
	s1 =	sshrl.u32 s1, $0x2  }
0xbc: {  	s3 =	sand.u32 $0x4000, s31;
	s1 =	sadd.s32 s1, s30  }
0xbd: {  	s0 =	sor.u32 s3, s0;
	s1 =	sshll.u32 s1, $0x11  }
0xbe: {  	s0 =	sor.u32 s1, s0  }
0xbf: {  	s0 =	sadd.s32 $0x8F2B, s0  }
0xc0: {  	[sflag:s0] =	ssyncadd.remote.s32 $0x1  }
0xc1: {  	_ =	sfence.sel $0xFFFF  }
0xc2: {  	[dreg:$0x0] =	wrdreg $0xFFFFFFFF;
	(pc) =	sbr.abs _section_cstart, $3  }
0xc3: {  	[dreg:$0x1] =	wrdreg $0xFFFFFFFF  }
0xc4: {  	_ =	task.clear_ibuf [dreg:s8], $0x2FFFF;
	_ =	strace $0x9FFFFFFF  }
0xc5: {  	(tm) =	ssettm $0x7FFFFFFF  }
tec
execute0_lowered:
.L_overlay_start_1:
0x0: {  	(tag) =	ssettag $0x1  }
0x1: {  	s1 =	rddreg [dreg:$0x0]  }
0x2: {  	s3 =	rddreg [dreg:$0x1]  }
0x3: {  	s0 =	rddreg [dreg:$0x2]  }
0x4: {  	s4 =	rddreg [dreg:$0x3]  }
0x5: {  	s12 =	stileid.u32;
	s2 =	srdreg.scid;
	s5 =	simm.s32 $0x0  }
0x6: {  	s28 =	simm.s32 $0x13C80;
	s29 =	simm.s32 $0x13D80;
	s30 =	simm.s32 $0x1BE80  }
0x7: {  	s31 =	simm.s32 $0x17E00;
	s8 =	smul.u32 $0x13C00, s12;
	s2 =	sand.u32 $0x1, s2  }
0x8: {  	[smem:$0x7FF] =	sst s5;
	s6 =	sadd.s32 $0x400, s0;
	s26 =	smul.u32 $0x4F000, s12  }
0x9: {  	s7 =	sadd.s32 $0xA400, s0;
	s18 =	sshll.u32 s12, $0x6;
	s9 =	smul.u32 $0x13C000, s2  }
0xa: {  	_ =	strace $0x80000047;
	s11 =	sshll.u32 s2, $0x4;
	s2 =	ssub.s32 $0x2, s2  }
0xb: {  	s10 =	sshrl.u32 s8, $0x3;
	s13 =	sor.u32 s12, s11;
	s14 =	sshrl.u32 s2, $0x1  }
0xc: {  	s11 =	simm.s32 $0x0;
	s10 =	sadd.s32 s10, s0;
	s8 =	sadd.s32 s8, s9  }
0xd: {  	s9 =	sshrl.u32 s26, $0x2;
	s2 =	ssub.s32 s2, s14;
	s8 =	sshrl.u32 s8, $0x3  }
0xe: {  	s15 =	sadd.s32 s9, s4;
	s10 =	sadd.s32 $0x14400, s10;
	s26 =	smax.u32 s2, $0x1  }
0xf: {  	s0 =	sadd.s32 s8, s0;
	s8 =	smul.u32 $0x2800, s13;
	[dreg:$0x5] =	wrdreg s10  }
0x10: {  	s9 =	sor.u32 $0x1C05, s18;
	s2 =	simm.s32 $0x2;
	[dreg:$0xd] =	wrdreg s26  }
0x11: {  	s26 =	simm.s32 $0x13E00;
	s0 =	sadd.s32 $0x3BC00, s0;
	s19 =	sshrl.u32 s8, $0x3  }
0x12: {  	s16 =	sor.u32 $0x100, s8;
	[dreg:$0xc] =	wrdreg s0;
	s20 =	sadd.s32 s6, s19  }
0x13: {  	s17 =	sor.u32 $0x180, s8;
	s21 =	sadd.s32 s3, s19;
	[dreg:$0x6] =	wrdreg s20  }
0x14: {  	s22 =	sor.u32 $0x10, s19;
	s10 =	sadd.s32 s7, s19;
	[dreg:$0x7] =	wrdreg s21  }
.Ltmp0:
0x15: {  	[dreg:$0x8] =	wrdreg s10;
	s23 =	sadd.s32 s6, s22;
	(pc) =	sbr.rel .LBB2_1-.Ltmp0, $4  }
0x16: {  	s0 =	simm.s32 $0x1;
	s24 =	sadd.s32 s3, s22;
	[dreg:$0x9] =	wrdreg s23  }
0x17: {  	s25 =	sadd.s32 s7, s22;
	s20 =	sshrl.u32 s15, $0x3;
	[dreg:$0xa] =	wrdreg s24  }
0x18: {  	s21 =	simm.s32 $0x5;
	s10 =	simm.s32 $0x4;
	[dreg:$0xb] =	wrdreg s25  }
0x19: {  	s23 =	simm.s32 $0x13D00;
	s24 =	simm.s32 $0x1BE00;
	s25 =	simm.s32 $0x80  }
.LBB2_8:
0x1a: {  	s8 =	simm.s32 $0x3  }
0x1b: {  	_ =	swait.ge [sflag:s8], $0x4000  }
0x1c: {  	[sflag:s8] =	ssyncset.done $0x0  }
0x1d: {  	[sflag:s8] =	ssyncadd.s32 $0xFFFFC000  }
0x1e: {  	_ =	swait.ge [sflag:s10], $0x4000  }
0x1f: {  	[sflag:s10] =	ssyncset.done $0x0  }
0x20: {  	[sflag:s10] =	ssyncadd.s32 $0xFFFFC000  }
0x21: {  	[bflag:$0x0] =	sbarrier.arrive $0xFFFF  }
0x22: {  	s19 =	rddreg [dreg:$0xc]  }
0x23: {  	[hbm:s19], [sflag:s9] =	dma.local [spmem:s20], $0x2780  }
0x24: {  	_ =	swait.ge [sflag:s21], $0x2780  }
0x25: {  	s11 =	sadd.s32 $0x1, s11;
	s22 =	rddreg [dreg:$0xd]  }
0x26: {  	p0 =	sne.s32 s11, s22  }
.Ltmp1:
0x27: {  	_ = 	snop;
	(pc) =	sbr.rel @!p0 .LBB2_9-.Ltmp1, $3  }
0x28: {  	_ =	sdelay $0x1  }
0x29: {  	[sflag:s21] =	ssyncset.done $0x0  }
0x2a: {  	[sflag:s21] =	ssyncadd.s32 $0xFFFFD880  }
.LBB2_1:
0x2b: {  	s8 =	rddreg [dreg:$0x5]  }
0x2c: {  	[spmem:s20], [sflag:s9] =	dma.local [hbm:s8], $0x2780  }
0x2d: {  	_ =	swait.ge [sflag:s21], $0x2780  }
0x2e: {  	[sflag:s21] =	ssyncset.done $0x0  }
0x2f: {  	[sflag:s21] =	ssyncadd.s32 $0xFFFFD880  }
0x30: {  	[bflag:$0x0] =	sbarrier.arrive $0xFFFF  }
0x31: {  	s12 =	simm.s32 $0x13C00;
	s13 =	rddreg [dreg:$0x6]  }
0x32: {  	[tilespmem:s12], [sflag:$0x5] =	stream.linear.gather [hbm4b:s13+s5], $0x80, $0x38;
	[tilespmem:$0x1BF00] =	vst v63  }
0x33: {  	_ =	swait.ge [sflag:s21], $0x80  }
0x34: {  	[sflag:s21] =	ssyncset.done $0x0  }
0x35: {  	s14 =	rddreg [dreg:$0x7];
	[sflag:s21] =	ssyncadd.s32 $0xFFFFFF80  }
0x36: {  	[tilespmem:s23], [sflag:$0x5] =	stream.linear.gather [hbm4b:s14+s5], $0x80, $0x38;
	[tilespmem:$0x1BF00] =	vst v63  }
0x37: {  	_ =	swait.ge [sflag:s21], $0x80  }
0x38: {  	[sflag:s21] =	ssyncset.done $0x0  }
0x39: {  	s15 =	rddreg [dreg:$0x8];
	[sflag:s21] =	ssyncadd.s32 $0xFFFFFF80  }
0x3a: {  	[tilespmem:s24], [sflag:$0x5] =	stream.linear.gather [hbm4b:s15+s5], $0x80, $0x38;
	[tilespmem:$0x1BF00] =	vst v63  }
0x3b: {  	_ =	swait.ge [sflag:s21], $0x80  }
0x3c: {  	[sflag:s21] =	ssyncset.done $0x0  }
0x3d: {  	[sflag:s21] =	ssyncadd.s32 $0xFFFFFF80  }
0x3e: {  	[tilespmem:s26], [sflag:$0x1] =	stream.indirect.gather [hbm4b:s1+s25], $0x80, s12, s25, $0xb8;
	[tilespmem:$0x1BF00] =	vst v63  }
0x3f: {  	s18 =	rddreg [dreg:$0x9]  }
0x40: {  	[tilespmem:s28], [sflag:$0x5] =	stream.linear.gather [hbm4b:s18+s5], $0x80, $0x38;
	[tilespmem:$0x1BF00] =	vst v63  }
0x41: {  	_ =	swait.ge [sflag:s21], $0x80  }
0x42: {  	[sflag:s21] =	ssyncset.done $0x0  }
0x43: {  	s19 =	rddreg [dreg:$0xa];
	[sflag:s21] =	ssyncadd.s32 $0xFFFFFF80  }
0x44: {  	[tilespmem:s29], [sflag:$0x5] =	stream.linear.gather [hbm4b:s19+s5], $0x80, $0x38;
	[tilespmem:$0x1BF00] =	vst v63  }
0x45: {  	_ =	swait.ge [sflag:s21], $0x80  }
0x46: {  	[sflag:s21] =	ssyncset.done $0x0  }
0x47: {  	s22 =	rddreg [dreg:$0xb];
	[sflag:s21] =	ssyncadd.s32 $0xFFFFFF80  }
0x48: {  	[tilespmem:s30], [sflag:$0x5] =	stream.linear.gather [hbm4b:s22+s5], $0x80, $0x38;
	[tilespmem:$0x1BF00] =	vst v63  }
0x49: {  	_ =	swait.ge [sflag:s21], $0x80  }
0x4a: {  	[sflag:s21] =	ssyncset.done $0x0  }
0x4b: {  	s12 =	simm.s32 $0x0;
	[sflag:s21] =	ssyncadd.s32 $0xFFFFFF80  }
0x4c: {  	[tilespmem:s31], [sflag:$0x2] =	stream.indirect.gather [hbm4b:s1+s25], $0x80, s28, s25, $0xb8;
	[tilespmem:$0x1BF00] =	vst v63  }
.LBB2_2:
0x4d: {  	_ =	swait.ge [sflag:s0], $0x4000;
	s13 =	simm.s32 $0x0  }
0x4e: {  	[sflag:s0] =	ssyncset.done $0x0;
	v0 =	vmov s13  }
0x4f: {  	s13 =	simm.s32 $0x13E40;
	[sflag:s0] =	ssyncadd.s32 $0xFFFFC000  }
0x50: {  	v4 =	vld [tilespmem:s13+$0x30]  }
0x51: {  	v7 =	vld [tilespmem:s13+$0x10]  }
0x52: {  	v5 =	vld [tilespmem:s13+$0xFFFFFFC0]  }
0x53: {  	v1 =	vld.idx.msk [tilespmem:v0+s24+$0x0], $0xffff  }
0x54: {  	v9 =	vld [tilespmem:s13+$0xFFFFFFE0]  }
0x55: {  	v2 =	vld [tilespmem:s13+$0x20]  }
0x56: {  	v3 =	vld [tilespmem:s13+$0xFFFFFFD0]  }
0x57: {  	v0 =	vld [tilespmem:s13+$0xFFFFFFF0]  }
0x58: {  	v8 =	vmul.f32 v4, v1;
	v4 =	vld [tilespmem:s13+$0x0]  }
0x59: {  	v6 =	vmul.f32 v5, v1  }
0x5a: {  	s14 =	simm.s32 $0x1;
	s15 =	simm.s32 $0x13E40;
	v5 =	vmul.f32 v9, v1;
	v7 =	vmul.f32 v7, v1  }
.LBB2_3:
0x5b: {  	p0 =	sne.s32 s14, $0x7F  }
0x5c: {  	v3 =	vmul.f32 v3, v1;
	v2 =	vmul.f32 v2, v1;
	[tilespmem:s13+$0x30] =	vst v8;
	s15 =	sadd.s32 $0x80, s15;
	s22 =	smov.u32 s14;
	s14 =	sadd.s32 $0x1, s14  }
0x5d: {  	[tilespmem:s13+$0xFFFFFFC0] =	vst v6;
	v6 =	vmul.f32 v0, v1;
	v1 =	vmul.f32 v4, v1  }
0x5e: {  	[tilespmem:s13+$0x10] =	vst v7  }
0x5f: {  	v4 =	vmov s22;
	[tilespmem:s13+$0xFFFFFFE0] =	vst v5  }
0x60: {  	v0 =	vld [tilespmem:s15+$0xFFFFFFF0];
	[tilespmem:s13+$0xFFFFFFF0] =	vst v6  }
0x61: {  	v5 =	vld [tilespmem:s15+$0x30];
	[tilespmem:s13+$0x0] =	vst v1  }
0x62: {  	v7 =	vld [tilespmem:s15+$0x10];
	[tilespmem:s13+$0x20] =	vst v2  }
0x63: {  	v6 =	vld [tilespmem:s15+$0xFFFFFFC0];
	[tilespmem:s13+$0xFFFFFFD0] =	vst v3;
	s13 =	smov.u32 s15  }
0x64: {  	v1 =	vld.idx.msk [tilespmem:v4+s24+$0x0], $0xffff  }
0x65: {  	v9 =	vld [tilespmem:s15+$0xFFFFFFE0]  }
0x66: {  	v2 =	vld [tilespmem:s15+$0x20]  }
.Ltmp2:
0x67: {  	v3 =	vld [tilespmem:s15+$0xFFFFFFD0];
	(pc) =	sbr.rel @p0 .LBB2_3-.Ltmp2, $3  }
0x68: {  	v4 =	vld [tilespmem:s15+$0x0];
	_ =	sdelay $0x1  }
0x69: {  	v6 =	vmul.f32 v6, v1;
	v8 =	vmul.f32 v5, v1  }
0x6a: {  	v7 =	vmul.f32 v7, v1;
	v5 =	vmul.f32 v9, v1  }
0x6b: {  	[tilespmem:s13+$0x30] =	vst v8  }
0x6c: {  	[tilespmem:s13+$0xFFFFFFC0] =	vst v6  }
0x6d: {  	v0 =	vmul.f32 v0, v1;
	[tilespmem:s13+$0x10] =	vst v7  }
0x6e: {  	v2 =	vmul.f32 v2, v1;
	[tilespmem:s13+$0xFFFFFFE0] =	vst v5  }
0x6f: {  	v4 =	vmul.f32 v4, v1;
	[tilespmem:s13+$0xFFFFFFF0] =	vst v0  }
0x70: {  	v0 =	vmul.f32 v3, v1;
	[tilespmem:s13+$0x20] =	vst v2  }
0x71: {  	p0 =	seq.s32 s12, $0x27;
	[tilespmem:s13+$0x0] =	vst v4  }
0x72: {  	s14 =	simm.s32 @!p0 $0x3;
	[tilespmem:s13+$0xFFFFFFD0] =	vst v0  }
0x73: {  	[spmem:s4] =	stream.indirect.scatter.add.f32 [tilespmem:s26], [sflag:$0x3], $0x80, s23, s25, $0xb8;
	[tilespmem:$0x1BF00] =	vst v63  }
0x74: {  	s13 =	sshll.u32 s12, $0x8;
	_ =	swait.ge @!p0 [sflag:s14], $0x4000  }
0x75: {  	s15 =	sadd.s32 @!p0 s13, s16;
	[sflag:s14] =	ssyncset.done @!p0 $0x0  }
0x76: {  	[sflag:s14] =	ssyncadd.s32 @!p0 $0xFFFFC000;
	s14 =	sshrl.u32 @!p0 s15, $0x3  }
0x77: {  	s22 =	simm.s32 @!p0 $0x0;
	s18 =	simm.s32 @!p0 $0x13C00;
	s15 =	sadd.s32 @!p0 s6, s14  }
0x78: {  	[tilespmem:s18], [sflag:$0x5] =	stream.linear.gather @!p0 [hbm4b:s15+s22], $0x80, $0x38;
	[tilespmem:$0x1BF00] =	vst v63  }
0x79: {  	s15 =	simm.s32 @!p0 $0x5  }
0x7a: {  	_ =	swait.ge @!p0 [sflag:s15], $0x80  }
0x7b: {  	[sflag:s15] =	ssyncset.done @!p0 $0x0  }
0x7c: {  	s8 =	simm.s32 @!p0 $0x13D00;
	s19 =	sadd.s32 @!p0 s3, s14;
	[sflag:s15] =	ssyncadd.s32 @!p0 $0xFFFFFF80  }
0x7d: {  	[tilespmem:s8], [sflag:$0x5] =	stream.linear.gather @!p0 [hbm4b:s19+s22], $0x80, $0x38;
	[tilespmem:$0x1BF00] =	vst v63  }
0x7e: {  	_ =	swait.ge @!p0 [sflag:s15], $0x80  }
0x7f: {  	[sflag:s15] =	ssyncset.done @!p0 $0x0  }
0x80: {  	s8 =	sadd.s32 @!p0 s7, s14;
	s14 =	simm.s32 @!p0 $0x1BE00;
	[sflag:s15] =	ssyncadd.s32 @!p0 $0xFFFFFF80  }
0x81: {  	[tilespmem:s14], [sflag:$0x5] =	stream.linear.gather @!p0 [hbm4b:s8+s22], $0x80, $0x38;
	[tilespmem:$0x1BF00] =	vst v63  }
0x82: {  	_ =	swait.ge @!p0 [sflag:s15], $0x80  }
0x83: {  	[sflag:s15] =	ssyncset.done @!p0 $0x0  }
0x84: {  	s8 =	simm.s32 @!p0 $0x80;
	s14 =	simm.s32 @!p0 $0x13E00;
	[sflag:s15] =	ssyncadd.s32 @!p0 $0xFFFFFF80  }
0x85: {  	[tilespmem:s14], [sflag:$0x1] =	stream.indirect.gather @!p0 [hbm4b:s1+s8], $0x80, s18, s8, $0xb8;
	[tilespmem:$0x1BF00] =	vst v63  }
0x86: {  	s15 =	simm.s32 $0x0;
	_ =	swait.ge [sflag:s2], $0x4000  }
0x87: {  	v0 =	vmov s15;
	[sflag:s2] =	ssyncset.done $0x0  }
0x88: {  	s14 =	simm.s32 $0x0;
	[sflag:s2] =	ssyncadd.s32 $0xFFFFC000  }
0x89: {  	v8 =	vld [tilespmem:s14+$0x17E20]  }
0x8a: {  	v7 =	vld [tilespmem:s14+$0x17E00]  }
0x8b: {  	v3 =	vld [tilespmem:s14+$0x17E50]  }
0x8c: {  	v0 =	vld.idx.msk [tilespmem:v0+s30+$0x0], $0xffff  }
0x8d: {  	v4 =	vld [tilespmem:s14+$0x17E30]  }
0x8e: {  	v2 =	vld [tilespmem:s14+$0x17E60]  }
0x8f: {  	v5 =	vld [tilespmem:s14+$0x17E40]  }
0x90: {  	v6 =	vld [tilespmem:s14+$0x17E70]  }
0x91: {  	s22 =	simm.s32 $0x200;
	v1 =	vld [tilespmem:s14+$0x17E10];
	v7 =	vmul.f32 v7, v0;
	v8 =	vmul.f32 v8, v0  }
.LBB2_5:
0x92: {  	p1 =	sne.s32 s22, $0xFE00  }
0x93: {  	v4 =	vmul.f32 v4, v0;
	v3 =	vmul.f32 v3, v0;
	s15 =	sadd.s32 $0x1, s15;
	s8 =	smov.u32 s22;
	s22 =	sadd.s32 $0x200, s22  }
0x94: {  	v2 =	vmul.f32 v2, v0;
	[tilespmem:s14+$0x17E20] =	vst v8;
	v5 =	vmul.f32 v5, v0  }
0x95: {  	[tilespmem:s14+$0x17E00] =	vst v7;
	v6 =	vmul.f32 v6, v0  }
0x96: {  	v7 =	vmov s15;
	[tilespmem:s14+$0x17E50] =	vst v3  }
0x97: {  	s8 =	sshra.s32 s8, $0x2;
	[tilespmem:s14+$0x17E70] =	vst v6  }
0x98: {  	v0 =	vmul.f32 v1, v0;
	v8 =	vld [tilespmem:s8+$0x17E20];
	[tilespmem:s14+$0x17E30] =	vst v4  }
0x99: {  	v9 =	vld [tilespmem:s8+$0x17E00];
	[tilespmem:s14+$0x17E40] =	vst v5  }
0x9a: {  	v3 =	vld [tilespmem:s8+$0x17E50];
	[tilespmem:s14+$0x17E60] =	vst v2  }
0x9b: {  	v4 =	vld [tilespmem:s8+$0x17E30];
	[tilespmem:s14+$0x17E10] =	vst v0;
	s14 =	smov.u32 s8  }
0x9c: {  	v0 =	vld.idx.msk [tilespmem:v7+s30+$0x0], $0xffff  }
0x9d: {  	v2 =	vld [tilespmem:s14+$0x17E60]  }
.Ltmp3:
0x9e: {  	v1 =	vld [tilespmem:s14+$0x17E10];
	(pc) =	sbr.rel @p1 .LBB2_5-.Ltmp3, $3  }
0x9f: {  	v5 =	vld [tilespmem:s14+$0x17E40]  }
0xa0: {  	v6 =	vld [tilespmem:s14+$0x17E70];
	_ =	sdelay $0x1  }
0xa1: {  	v7 =	vmul.f32 v9, v0;
	v8 =	vmul.f32 v8, v0  }
0xa2: {  	_ = 	snop  }
0xa3: {  	v3 =	vmul.f32 v3, v0;
	[tilespmem:s14+$0x17E20] =	vst v8  }
0xa4: {  	v4 =	vmul.f32 v4, v0;
	[tilespmem:s14+$0x17E00] =	vst v7  }
0xa5: {  	v2 =	vmul.f32 v2, v0;
	[tilespmem:s14+$0x17E50] =	vst v3  }
0xa6: {  	v63 =	vmul.f32 v1, v0;
	[tilespmem:s14+$0x17E30] =	vst v4  }
.Ltmp4:
0xa7: {  	v62 =	vmul.f32 v5, v0;
	[tilespmem:s14+$0x17E60] =	vst v2;
	(pc) =	sbr.rel @p0 .LBB2_8-.Ltmp4, $4  }
0xa8: {  	v6 =	vmul.f32 v6, v0;
	[tilespmem:s14+$0x17E10] =	vst v63  }
0xa9: {  	[tilespmem:s14+$0x17E40] =	vst v62  }
0xaa: {  	[tilespmem:s14+$0x17E70] =	vst v6  }
0xab: {  	[spmem:s4] =	stream.indirect.scatter.add.f32 [tilespmem:s31], [sflag:$0x4], $0x80, s29, s25, $0xb8;
	[tilespmem:$0x1BF00] =	vst v63  }
0xac: {  	_ =	swait.ge [sflag:s10], $0x4000;
	s8 =	sadd.s32 s13, s17  }
0xad: {  	[sflag:s10] =	ssyncset.done $0x0;
	s8 =	sshrl.u32 s8, $0x3  }
0xae: {  	[sflag:s10] =	ssyncadd.s32 $0xFFFFC000;
	s19 =	sadd.s32 s6, s8  }
0xaf: {  	[tilespmem:s28], [sflag:$0x5] =	stream.linear.gather [hbm4b:s19+s5], $0x80, $0x38;
	[tilespmem:$0x1BF00] =	vst v63  }
0xb0: {  	_ =	swait.ge [sflag:s21], $0x80  }
0xb1: {  	[sflag:s21] =	ssyncset.done $0x0  }
0xb2: {  	s22 =	sadd.s32 s3, s8;
	[sflag:s21] =	ssyncadd.s32 $0xFFFFFF80  }
0xb3: {  	[tilespmem:s29], [sflag:$0x5] =	stream.linear.gather [hbm4b:s22+s5], $0x80, $0x38;
	[tilespmem:$0x1BF00] =	vst v63  }
0xb4: {  	_ =	swait.ge [sflag:s21], $0x80  }
0xb5: {  	[sflag:s21] =	ssyncset.done $0x0  }
0xb6: {  	s8 =	sadd.s32 s7, s8;
	[sflag:s21] =	ssyncadd.s32 $0xFFFFFF80  }
0xb7: {  	[tilespmem:s30], [sflag:$0x5] =	stream.linear.gather [hbm4b:s8+s5], $0x80, $0x38;
	[tilespmem:$0x1BF00] =	vst v63  }
.Ltmp5:
0xb8: {  	_ = 	snop;
	(pc) =	sbr.rel .LBB2_2-.Ltmp5, $4  }
0xb9: {  	_ =	swait.ge [sflag:s21], $0x80  }
0xba: {  	[sflag:s21] =	ssyncset.done $0x0  }
0xbb: {  	s12 =	sadd.s32 $0x1, s12;
	[sflag:s21] =	ssyncadd.s32 $0xFFFFFF80  }
0xbc: {  	[tilespmem:s31], [sflag:$0x2] =	stream.indirect.gather [hbm4b:s1+s25], $0x80, s28, s25, $0xb8;
	[tilespmem:$0x1BF00] =	vst v63  }
.LBB2_9:
0xbd: {  	_ =	sfence.sel $0x180000  }
0xbe: {  	[bflag:$0x0] =	sbarrier.arrive $0xFFFF  }
0xbf: {  	_ =	strace $0x90000047  }
0xc0: {  	s0 =	stileid.u32;
	[bflag:$0x2] =	sbarrier.arrive $0xFFFF  }
0xc1: {  	p0 =	sne.s32 s0, $0x0;
	s0 =	rddreg [dreg:$0x4]  }
0xc2: {  	s0 =	sadd.s32 @!p0 $0x100000, s0  }
0xc3: {  	[sflag:s0] =	ssyncadd.tile.s32 @!p0 $0x1;
	_ =	shalt  }
.Lfunc_end2:
_tile_overlayer_lowered:
.L_overlay_start_2:
0xc4: {  	(tag) =	ssettag $0x2  }
0xc5: {  	s0 =	rddreg [dreg:$0x0];
	s2 =	stileid.u32  }
0xc6: {  	s1 =	rddreg [dreg:$0x1];
	p0 =	sne.s32 s2, $0x0  }
0xc7: {  	s3 =	rddreg [dreg:$0x2];
	[bflag:$0x3] =	sbarrier.arrive $0xFFFF;
	s2 =	simm.s32 @!p0 $0x1C05  }
0xc8: {  	[timem:s3], [sflag:s2] =	dma.local @!p0 [hbm:s0], s1  }
0xc9: {  	s0 =	simm.s32 @!p0 $0x5  }
0xca: {  	_ =	swait.ge @!p0 [sflag:s0], s1  }
0xcb: {  	s1 =	ssub.s32 @!p0 $0x0, s1;
	[sflag:s0] =	ssyncset.done @!p0 $0x0  }
0xcc: {  	[sflag:s0] =	ssyncadd.s32 @!p0 s1  }
0xcd: {  	[bflag:$0x3] =	sbarrier.arrive $0xFFFF  }
0xce: {  	_ =	shalt  }

</sc_bundles>
